<compile_context>
chip_gen: v7x
topology: tpu7x:2x2x1
jax: 0.10.2.dev20260603
libtpu: 0.0.44.dev20260713+nightly
codegen_flags: <defaults>
</compile_context>

<pallas_src>
import functools

import jax
import jax.numpy as jnp
from jax import lax
from jax.experimental import pallas as pl
from jax.experimental.pallas import tpu as pltpu

BATCH, BDASH, VOCAB, T, DMODEL = 16, 8, 32768, 4, 1024
NEG_INF = float("-inf")


def _topk_body(lp_ref, bls_ref, seq_ref, bls_out, seq_out, src_out):
    b = pl.program_id(0)
    bls_col = bls_ref[0]
    cand = lp_ref[...] + bls_col
    fid = (lax.broadcasted_iota(jnp.int32, (BDASH, VOCAB), 0) * VOCAB
           + lax.broadcasted_iota(jnp.int32, (BDASH, VOCAB), 1))
    iota_col = lax.broadcasted_iota(jnp.int32, (BDASH, 1), 0)
    lane8 = lax.broadcasted_iota(jnp.int32, (1, 1, BDASH), 2)
    seq_slab = seq_ref[...]
    seq_mask_iota = lax.broadcasted_iota(jnp.int32, (1, BDASH, T), 1)

    nb = jnp.zeros((1, 1, BDASH), jnp.float32)
    sr = jnp.zeros((1, 1, BDASH), jnp.int32)
    vals = cand
    for k in range(BDASH):
        m = jnp.max(vals)
        idx = jnp.min(jnp.where(vals == m, fid, jnp.int32(2 ** 30)))
        beam_k = lax.shift_right_logical(idx, 15)
        sel_k = jnp.bitwise_and(idx, VOCAB - 1)
        blsv = jnp.sum(jnp.where(iota_col == beam_k, bls_col, 0.0))
        nb = jnp.where(lane8 == k, blsv + m, nb)
        sr = jnp.where(lane8 == k, b * BDASH + beam_k, sr)
        row = jnp.sum(jnp.where(seq_mask_iota == beam_k, seq_slab, 0),
                      axis=(0, 1))
        row5 = jnp.concatenate([row, jnp.broadcast_to(sel_k, (1,))], axis=0)
        seq_out[0, k, :] = row5
        vals = jnp.where(fid == idx, NEG_INF, vals)
    bls_out[...] = nb
    src_out[...] = sr


def _gather_body(src_ref, bsl_ref, lp_ref, st_ref, out_ref, ost_ref):
    del src_ref
    out_ref[0, 0:T, :] = bsl_ref[0]
    out_ref[0, T, :] = lp_ref[0, 0]
    ost_ref[...] = st_ref[...]


def kernel(logprobs, beam_logprobs_sum, beam_seq, beam_seq_logprobs, state,
           beam_size):
    del beam_size
    nrows = BATCH * BDASH

    new_bls3, new_seq, src3 = pl.pallas_call(
        _topk_body,
        grid=(BATCH,),
        in_specs=[
            pl.BlockSpec((BDASH, VOCAB), lambda b: (b, 0)),
            pl.BlockSpec((1, BDASH, 1), lambda b: (b, 0, 0)),
            pl.BlockSpec((1, BDASH, T), lambda b: (b, 0, 0)),
        ],
        out_specs=[
            pl.BlockSpec((1, 1, BDASH), lambda b: (b, 0, 0)),
            pl.BlockSpec((1, BDASH, T + 1), lambda b: (b, 0, 0)),
            pl.BlockSpec((1, 1, BDASH), lambda b: (b, 0, 0)),
        ],
        out_shape=[
            jax.ShapeDtypeStruct((BATCH, 1, BDASH), jnp.float32),
            jax.ShapeDtypeStruct((BATCH, BDASH, T + 1), jnp.int32),
            jax.ShapeDtypeStruct((BATCH, 1, BDASH), jnp.int32),
        ],
    )(
        logprobs.reshape(nrows, VOCAB),
        beam_logprobs_sum.reshape(BATCH, BDASH, 1),
        beam_seq,
    )

    src_rows = src3.reshape(nrows)

    bsl_flat = beam_seq_logprobs.reshape(nrows, T, VOCAB)
    lp3 = logprobs.reshape(nrows, 1, VOCAB)
    st4 = state.reshape(2, nrows, 1, DMODEL)

    new_bsl, new_state4 = pl.pallas_call(
        _gather_body,
        grid_spec=pltpu.PrefetchScalarGridSpec(
            num_scalar_prefetch=1,
            grid=(nrows,),
            in_specs=[
                pl.BlockSpec((1, T, VOCAB), lambda i, sr: (sr[i], 0, 0)),
                pl.BlockSpec((1, 1, VOCAB), lambda i, sr: (sr[i], 0, 0)),
                pl.BlockSpec((2, 1, 1, DMODEL), lambda i, sr: (0, sr[i], 0, 0)),
            ],
            out_specs=[
                pl.BlockSpec((1, T + 1, VOCAB), lambda i, sr: (i, 0, 0)),
                pl.BlockSpec((2, 1, 1, DMODEL), lambda i, sr: (0, i, 0, 0)),
            ],
        ),
        out_shape=[
            jax.ShapeDtypeStruct((nrows, T + 1, VOCAB), jnp.float32),
            jax.ShapeDtypeStruct((2, nrows, 1, DMODEL), jnp.float32),
        ],
    )(src_rows, bsl_flat, lp3, st4)

    new_beam_seq_logprobs = new_bsl.reshape(BATCH, BDASH, T + 1, VOCAB)
    new_beam_logprobs_sum = new_bls3.reshape(BATCH, BDASH)
    new_state = new_state4.reshape(2, nrows, DMODEL)
    return new_seq, new_beam_seq_logprobs, new_beam_logprobs_sum, new_state

# --- scband reference (transcript-rebuilt; emitter-appended) ---
"""Pipeline reference for scband-caption-model-47098611368401 (READ-ONLY COPY).

The authoritative reference and input builder live on the scoring server;
editing this copy changes nothing except your own understanding.
"""

import jax, jax.numpy as jnp
import numpy as np

BATCH, BDASH, VOCAB, T, DMODEL = 16, 8, 32768, 4, 1024


def setup_inputs(seed: int = 0) -> dict:
    key = jax.random.key(seed)
    k0, k1, k2, k3, k4 = jax.random.split(key, 5)
    raw = jax.random.normal(k0, (BATCH * BDASH, VOCAB), dtype=jnp.float32)
    logprobs = jax.nn.log_softmax(raw, axis=-1)
    beam_logprobs_sum = -jnp.abs(jax.random.normal(k1, (BATCH, BDASH), dtype=jnp.float32))
    beam_seq = jax.random.randint(k2, (BATCH, BDASH, T), 0, VOCAB, dtype=jnp.int32)
    beam_seq_logprobs = jax.random.normal(k3, (BATCH, BDASH, T, VOCAB), dtype=jnp.float32)
    state = jax.random.normal(k4, (2, BATCH * BDASH, DMODEL), dtype=jnp.float32)
    return {
        'logprobs': logprobs,
        'beam_logprobs_sum': beam_logprobs_sum,
        'beam_seq': beam_seq,
        'beam_seq_logprobs': beam_seq_logprobs,
        'state': state,
        'beam_size': 8,
    }


def reference(logprobs, beam_logprobs_sum, beam_seq, beam_seq_logprobs, state, beam_size):
    # Faithful JAX port of CaptionModel.beam_search's beam_step for t > 0.
    # torch.sort(..., descending=True)[:, :beam_size] == lax.top_k.
    batch_size = beam_logprobs_sum.shape[0]
    vocab_size = logprobs.shape[-1]
    lp = logprobs.reshape(batch_size, -1, vocab_size)
    nbeams = lp.shape[1]
    # candidate_logprobs = beam_logprobs_sum.unsqueeze(-1) + logprobs
    candidate_logprobs = beam_logprobs_sum[:, :, None] + lp
    flat = candidate_logprobs.reshape(batch_size, -1)
    k_static = beam_logprobs_sum.shape[1]
    flat = flat + (jnp.asarray(beam_size) * 0).astype(flat.dtype)
    ys, ix = jax.lax.top_k(flat, k_static)
    beam_ix = ix // vocab_size
    selected_ix = ix % vocab_size
    state_ix = (beam_ix + jnp.arange(batch_size, dtype=beam_ix.dtype)[:, None] * nbeams).reshape(-1)
    # beam_seq = beam_seq.gather(1, beam_ix...) then cat selected_ix
    new_beam_seq = jnp.take_along_axis(beam_seq, beam_ix[:, :, None], axis=1)
    new_beam_seq = jnp.concatenate([new_beam_seq, selected_ix[:, :, None].astype(new_beam_seq.dtype)], axis=-1)
    # beam_logprobs_sum = gather + gather(flat, ix)  (== ys)
    new_beam_logprobs_sum = (jnp.take_along_axis(beam_logprobs_sum, beam_ix, axis=1)
                             + jnp.take_along_axis(flat, ix, axis=1))
    # beam_seq_logprobs gather along beam dim, then cat per-step unaug logprobs
    old_bsl = jnp.take_along_axis(beam_seq_logprobs, beam_ix[:, :, None, None], axis=1)
    unaug = lp  # unaug_logprobs = logprobs.clone()
    beam_logprobs = jnp.take_along_axis(unaug, beam_ix[:, :, None], axis=1)
    new_beam_seq_logprobs = jnp.concatenate([old_bsl, beam_logprobs[:, :, None, :]], axis=2)
    # new_state[_ix] = state[_ix][:, state_ix] (stacked layers here)
    new_state = state[:, state_ix]
    return new_beam_seq, new_beam_seq_logprobs, new_beam_logprobs_sum, new_state

if __name__ == "__main__":
    import jax
    _d = setup_inputs()
    print(jax.jit(kernel)(*tuple(_d.values())))

</pallas_src>

<mosaic_0001>
module attributes {stable_mosaic.version = 14 : i64} {
  func.func @_topk_body(%arg0: i32, %arg1: memref<8x32768xf32, #tpu.memory_space<vmem>>, %arg2: memref<1x8x1xf32, #tpu.memory_space<vmem>>, %arg3: memref<1x8x4xi32, #tpu.memory_space<vmem>>, %arg4: memref<1x1x8xf32, #tpu.memory_space<vmem>>, %arg5: memref<1x8x5xi32, #tpu.memory_space<vmem>>, %arg6: memref<1x1x8xi32, #tpu.memory_space<vmem>>) attributes {dimension_semantics = [#tpu.dimension_semantics<arbitrary>], iteration_bounds = array<i64: 16>, scalar_prefetch = 0 : i64, scratch_operands = 0 : i64, tpu.core_type = #tpu.core_type<tc>, window_params = [{transform_indices = @transform_0, window_bounds = array<i64: 8, 32768>}, {transform_indices = @transform_1, window_bounds = array<i64: 1, 8, 1>}, {transform_indices = @transform_2, window_bounds = array<i64: 1, 8, 4>}, {transform_indices = @transform_3, window_bounds = array<i64: 1, 1, 8>}, {transform_indices = @transform_4, window_bounds = array<i64: 1, 8, 5>}, {transform_indices = @transform_5, window_bounds = array<i64: 1, 1, 8>}]} {
    %get3A = arith.constant 0 : index
    %get3A_0 = arith.constant 0 : index
    %get3A_1 = arith.constant 0 : index
    %get3A_2 = vector.load %arg2[%get3A, %get3A_0, %get3A_1] : memref<1x8x1xf32, #tpu.memory_space<vmem>>, vector<1x8x1xf32>
    %get3A_3 = vector.shape_cast %get3A_2 : vector<1x8x1xf32> to vector<8x1xf32>
    %get3A_4 = arith.constant 0 : index
    %get3A_5 = arith.constant 0 : index
    %get3A_6 = vector.load %arg1[%get3A_4, %get3A_5] : memref<8x32768xf32, #tpu.memory_space<vmem>>, vector<8x32768xf32>
    %add3A = vector.broadcast %get3A_3 : vector<8x1xf32> to vector<8x32768xf32>
    %add3A_7 = arith.addf %get3A_6, %add3A : vector<8x32768xf32>
    %iota3A = tpu.iota {dimensions = array<i32: 0>} : vector<8x32768xi32>
    %mul3A = arith.constant 32768 : i32
    %mul3A_8 = vector.broadcast %mul3A : i32 to vector<8x32768xi32>
    %mul3A_9 = arith.muli %iota3A, %mul3A_8 : vector<8x32768xi32>
    %iota3A_10 = tpu.iota {dimensions = array<i32: 1>} : vector<8x32768xi32>
    %add3A_11 = arith.addi %mul3A_9, %iota3A_10 : vector<8x32768xi32>
    %iota3A_12 = tpu.iota {dimensions = array<i32: 0>} : vector<8x1xi32>
    %iota3A_13 = tpu.iota {dimensions = array<i32: 2>} : vector<1x1x8xi32>
    %get3A_14 = arith.constant 0 : index
    %get3A_15 = arith.constant 0 : index
    %get3A_16 = arith.constant 0 : index
    %get3A_17 = vector.load %arg3[%get3A_14, %get3A_15, %get3A_16] : memref<1x8x4xi32, #tpu.memory_space<vmem>>, vector<1x8x4xi32>
    %iota3A_18 = tpu.iota {dimensions = array<i32: 1>} : vector<1x8x4xi32>
    %broadcast_in_dim3A = arith.constant 0.000000e+00 : f32
    %broadcast_in_dim3A_19 = vector.broadcast %broadcast_in_dim3A : f32 to vector<1x1x8xf32>
    %broadcast_in_dim3A_20 = arith.constant 0 : i32
    %broadcast_in_dim3A_21 = vector.broadcast %broadcast_in_dim3A_20 : i32 to vector<1x1x8xi32>
    %reduce_max3A = vector.shape_cast %add3A_7 : vector<8x32768xf32> to vector<1x8x32768xf32>
    %reduce_max3A_22 = arith.constant dense<0xFF800000> : vector<1xf32>
    %reduce_max3A_23 = vector.multi_reduction <maximumf>, %reduce_max3A, %reduce_max3A_22 [1, 2] : vector<1x8x32768xf32> to vector<1xf32>
    %reduce_max3A_24 = vector.shape_cast %reduce_max3A_23 : vector<1xf32> to vector<1x1x1xf32>
    %reduce_max3A_25 = vector.extract %reduce_max3A_24[0, 0, 0] : f32 from vector<1x1x1xf32>
    %eq3A = vector.broadcast %reduce_max3A_25 : f32 to vector<8x32768xf32>
    %eq3A_26 = arith.cmpf oeq, %add3A_7, %eq3A : vector<8x32768xf32>
    %jit3A = arith.constant 1073741824 : i32
    %broadcast_in_dim3A_27 = vector.broadcast %jit3A : i32 to vector<8x32768xi32>
    %select_n3A = arith.select %eq3A_26, %add3A_11, %broadcast_in_dim3A_27 : vector<8x32768xi1>, vector<8x32768xi32>
    %reduce_min3A = vector.shape_cast %select_n3A : vector<8x32768xi32> to vector<1x8x32768xi32>
    %reduce_min3A_28 = arith.constant dense<2147483647> : vector<1xi32>
    %reduce_min3A_29 = vector.multi_reduction <minsi>, %reduce_min3A, %reduce_min3A_28 [1, 2] : vector<1x8x32768xi32> to vector<1xi32>
    %reduce_min3A_30 = vector.shape_cast %reduce_min3A_29 : vector<1xi32> to vector<1x1x1xi32>
    %reduce_min3A_31 = vector.extract %reduce_min3A_30[0, 0, 0] : i32 from vector<1x1x1xi32>
    %shift_right_logical3A = arith.constant 15 : i32
    %shift_right_logical3A_32 = arith.shrui %reduce_min3A_31, %shift_right_logical3A : i32
    %and3A = arith.constant 32767 : i32
    %and3A_33 = arith.andi %reduce_min3A_31, %and3A : i32
    %eq3A_34 = vector.broadcast %shift_right_logical3A_32 : i32 to vector<8x1xi32>
    %eq3A_35 = arith.cmpi eq, %iota3A_12, %eq3A_34 : vector<8x1xi32>
    %jit3A_36 = arith.constant 0.000000e+00 : f32
    %broadcast_in_dim3A_37 = vector.broadcast %jit3A_36 : f32 to vector<8x1xf32>
    %select_n3A_38 = arith.select %eq3A_35, %get3A_3, %broadcast_in_dim3A_37 : vector<8x1xi1>, vector<8x1xf32>
    %reduce_sum3A = vector.shape_cast %select_n3A_38 : vector<8x1xf32> to vector<1x8x1xf32>
    %reduce_sum3A_39 = arith.constant dense<0.000000e+00> : vector<1xf32>
    %reduce_sum3A_40 = vector.multi_reduction <add>, %reduce_sum3A, %reduce_sum3A_39 [1, 2] : vector<1x8x1xf32> to vector<1xf32>
    %reduce_sum3A_41 = vector.shape_cast %reduce_sum3A_40 : vector<1xf32> to vector<1x1x1xf32>
    %reduce_sum3A_42 = vector.extract %reduce_sum3A_41[0, 0, 0] : f32 from vector<1x1x1xf32>
    %eq3A_43 = arith.constant 0 : i32
    %eq3A_44 = vector.broadcast %eq3A_43 : i32 to vector<1x1x8xi32>
    %eq3A_45 = arith.cmpi eq, %iota3A_13, %eq3A_44 : vector<1x1x8xi32>
    %add3A_46 = arith.addf %reduce_sum3A_42, %reduce_max3A_25 : f32
    %broadcast_in_dim3A_47 = vector.broadcast %add3A_46 : f32 to vector<1x1x8xf32>
    %select_n3A_48 = arith.select %eq3A_45, %broadcast_in_dim3A_47, %broadcast_in_dim3A_19 : vector<1x1x8xi1>, vector<1x1x8xf32>
    %eq3A_49 = arith.constant 0 : i32
    %eq3A_50 = vector.broadcast %eq3A_49 : i32 to vector<1x1x8xi32>
    %eq3A_51 = arith.cmpi eq, %iota3A_13, %eq3A_50 : vector<1x1x8xi32>
    %mul3A_52 = arith.constant 8 : i32
    %mul3A_53 = arith.muli %arg0, %mul3A_52 : i32
    %add3A_54 = arith.addi %mul3A_53, %shift_right_logical3A_32 : i32
    %broadcast_in_dim3A_55 = vector.broadcast %add3A_54 : i32 to vector<1x1x8xi32>
    %select_n3A_56 = arith.select %eq3A_51, %broadcast_in_dim3A_55, %broadcast_in_dim3A_21 : vector<1x1x8xi1>, vector<1x1x8xi32>
    %eq3A_57 = vector.broadcast %shift_right_logical3A_32 : i32 to vector<1x8x4xi32>
    %eq3A_58 = arith.cmpi eq, %iota3A_18, %eq3A_57 : vector<1x8x4xi32>
    %jit3A_59 = arith.constant 0 : i32
    %broadcast_in_dim3A_60 = vector.broadcast %jit3A_59 : i32 to vector<1x8x4xi32>
    %select_n3A_61 = arith.select %eq3A_58, %get3A_17, %broadcast_in_dim3A_60 : vector<1x8x4xi1>, vector<1x8x4xi32>
    %reduce_sum3A_62 = arith.constant dense<0> : vector<4xi32>
    %reduce_sum3A_63 = vector.multi_reduction <add>, %select_n3A_61, %reduce_sum3A_62 [0, 1] : vector<1x8x4xi32> to vector<4xi32>
    %broadcast_in_dim3A_64 = vector.broadcast %and3A_33 : i32 to vector<1xi32>
    %concatenate3A = tpu.concatenate %reduce_sum3A_63, %broadcast_in_dim3A_64 in 0 : vector<4xi32>, vector<1xi32> -> vector<5xi32>
    %swap3A = arith.constant 0 : index
    %swap3A_65 = arith.constant 0 : index
    %swap3A_66 = arith.constant 0 : index
    %swap3A_67 = vector.load %arg5[%swap3A, %swap3A_65, %swap3A_66] : memref<1x8x5xi32, #tpu.memory_space<vmem>>, vector<1x1x5xi32>
    %swap3A_68 = vector.shape_cast %swap3A_67 : vector<1x1x5xi32> to vector<5xi32>
    %swap3A_69 = vector.shape_cast %concatenate3A : vector<5xi32> to vector<1x1x5xi32>
    tpu.vector_store %arg5[%swap3A, %swap3A_65, %swap3A_66], %swap3A_69 {strides = array<i32>} : memref<1x8x5xi32, #tpu.memory_space<vmem>>, vector<1x1x5xi32>,
    %eq3A_70 = vector.broadcast %reduce_min3A_31 : i32 to vector<8x32768xi32>
    %eq3A_71 = arith.cmpi eq, %add3A_11, %eq3A_70 : vector<8x32768xi32>
    %jit3A_72 = arith.constant 0xFF800000 : f32
    %broadcast_in_dim3A_73 = vector.broadcast %jit3A_72 : f32 to vector<8x32768xf32>
    %select_n3A_74 = arith.select %eq3A_71, %broadcast_in_dim3A_73, %add3A_7 : vector<8x32768xi1>, vector<8x32768xf32>
    %reduce_max3A_75 = vector.shape_cast %select_n3A_74 : vector<8x32768xf32> to vector<1x8x32768xf32>
    %reduce_max3A_76 = arith.constant dense<0xFF800000> : vector<1xf32>
    %reduce_max3A_77 = vector.multi_reduction <maximumf>, %reduce_max3A_75, %reduce_max3A_76 [1, 2] : vector<1x8x32768xf32> to vector<1xf32>
    %reduce_max3A_78 = vector.shape_cast %reduce_max3A_77 : vector<1xf32> to vector<1x1x1xf32>
    %reduce_max3A_79 = vector.extract %reduce_max3A_78[0, 0, 0] : f32 from vector<1x1x1xf32>
    %eq3A_80 = vector.broadcast %reduce_max3A_79 : f32 to vector<8x32768xf32>
    %eq3A_81 = arith.cmpf oeq, %select_n3A_74, %eq3A_80 : vector<8x32768xf32>
    %jit3A_82 = arith.constant 1073741824 : i32
    %broadcast_in_dim3A_83 = vector.broadcast %jit3A_82 : i32 to vector<8x32768xi32>
    %select_n3A_84 = arith.select %eq3A_81, %add3A_11, %broadcast_in_dim3A_83 : vector<8x32768xi1>, vector<8x32768xi32>
    %reduce_min3A_85 = vector.shape_cast %select_n3A_84 : vector<8x32768xi32> to vector<1x8x32768xi32>
    %reduce_min3A_86 = arith.constant dense<2147483647> : vector<1xi32>
    %reduce_min3A_87 = vector.multi_reduction <minsi>, %reduce_min3A_85, %reduce_min3A_86 [1, 2] : vector<1x8x32768xi32> to vector<1xi32>
    %reduce_min3A_88 = vector.shape_cast %reduce_min3A_87 : vector<1xi32> to vector<1x1x1xi32>
    %reduce_min3A_89 = vector.extract %reduce_min3A_88[0, 0, 0] : i32 from vector<1x1x1xi32>
    %shift_right_logical3A_90 = arith.constant 15 : i32
    %shift_right_logical3A_91 = arith.shrui %reduce_min3A_89, %shift_right_logical3A_90 : i32
    %and3A_92 = arith.constant 32767 : i32
    %and3A_93 = arith.andi %reduce_min3A_89, %and3A_92 : i32
    %eq3A_94 = vector.broadcast %shift_right_logical3A_91 : i32 to vector<8x1xi32>
    %eq3A_95 = arith.cmpi eq, %iota3A_12, %eq3A_94 : vector<8x1xi32>
    %jit3A_96 = arith.constant 0.000000e+00 : f32
    %broadcast_in_dim3A_97 = vector.broadcast %jit3A_96 : f32 to vector<8x1xf32>
    %select_n3A_98 = arith.select %eq3A_95, %get3A_3, %broadcast_in_dim3A_97 : vector<8x1xi1>, vector<8x1xf32>
    %reduce_sum3A_99 = vector.shape_cast %select_n3A_98 : vector<8x1xf32> to vector<1x8x1xf32>
    %reduce_sum3A_100 = arith.constant dense<0.000000e+00> : vector<1xf32>
    %reduce_sum3A_101 = vector.multi_reduction <add>, %reduce_sum3A_99, %reduce_sum3A_100 [1, 2] : vector<1x8x1xf32> to vector<1xf32>
    %reduce_sum3A_102 = vector.shape_cast %reduce_sum3A_101 : vector<1xf32> to vector<1x1x1xf32>
    %reduce_sum3A_103 = vector.extract %reduce_sum3A_102[0, 0, 0] : f32 from vector<1x1x1xf32>
    %eq3A_104 = arith.constant 1 : i32
    %eq3A_105 = vector.broadcast %eq3A_104 : i32 to vector<1x1x8xi32>
    %eq3A_106 = arith.cmpi eq, %iota3A_13, %eq3A_105 : vector<1x1x8xi32>
    %add3A_107 = arith.addf %reduce_sum3A_103, %reduce_max3A_79 : f32
    %broadcast_in_dim3A_108 = vector.broadcast %add3A_107 : f32 to vector<1x1x8xf32>
    %select_n3A_109 = arith.select %eq3A_106, %broadcast_in_dim3A_108, %select_n3A_48 : vector<1x1x8xi1>, vector<1x1x8xf32>
    %eq3A_110 = arith.constant 1 : i32
    %eq3A_111 = vector.broadcast %eq3A_110 : i32 to vector<1x1x8xi32>
    %eq3A_112 = arith.cmpi eq, %iota3A_13, %eq3A_111 : vector<1x1x8xi32>
    %mul3A_113 = arith.constant 8 : i32
    %mul3A_114 = arith.muli %arg0, %mul3A_113 : i32
    %add3A_115 = arith.addi %mul3A_114, %shift_right_logical3A_91 : i32
    %broadcast_in_dim3A_116 = vector.broadcast %add3A_115 : i32 to vector<1x1x8xi32>
    %select_n3A_117 = arith.select %eq3A_112, %broadcast_in_dim3A_116, %select_n3A_56 : vector<1x1x8xi1>, vector<1x1x8xi32>
    %eq3A_118 = vector.broadcast %shift_right_logical3A_91 : i32 to vector<1x8x4xi32>
    %eq3A_119 = arith.cmpi eq, %iota3A_18, %eq3A_118 : vector<1x8x4xi32>
    %jit3A_120 = arith.constant 0 : i32
    %broadcast_in_dim3A_121 = vector.broadcast %jit3A_120 : i32 to vector<1x8x4xi32>
    %select_n3A_122 = arith.select %eq3A_119, %get3A_17, %broadcast_in_dim3A_121 : vector<1x8x4xi1>, vector<1x8x4xi32>
    %reduce_sum3A_123 = arith.constant dense<0> : vector<4xi32>
    %reduce_sum3A_124 = vector.multi_reduction <add>, %select_n3A_122, %reduce_sum3A_123 [0, 1] : vector<1x8x4xi32> to vector<4xi32>
    %broadcast_in_dim3A_125 = vector.broadcast %and3A_93 : i32 to vector<1xi32>
    %concatenate3A_126 = tpu.concatenate %reduce_sum3A_124, %broadcast_in_dim3A_125 in 0 : vector<4xi32>, vector<1xi32> -> vector<5xi32>
    %swap3A_127 = arith.constant 0 : index
    %swap3A_128 = arith.constant 1 : index
    %swap3A_129 = arith.constant 0 : index
    %swap3A_130 = vector.load %arg5[%swap3A_127, %swap3A_128, %swap3A_129] : memref<1x8x5xi32, #tpu.memory_space<vmem>>, vector<1x1x5xi32>
    %swap3A_131 = vector.shape_cast %swap3A_130 : vector<1x1x5xi32> to vector<5xi32>
    %swap3A_132 = vector.shape_cast %concatenate3A_126 : vector<5xi32> to vector<1x1x5xi32>
    tpu.vector_store %arg5[%swap3A_127, %swap3A_128, %swap3A_129], %swap3A_132 {strides = array<i32>} : memref<1x8x5xi32, #tpu.memory_space<vmem>>, vector<1x1x5xi32>,
    %eq3A_133 = vector.broadcast %reduce_min3A_89 : i32 to vector<8x32768xi32>
    %eq3A_134 = arith.cmpi eq, %add3A_11, %eq3A_133 : vector<8x32768xi32>
    %jit3A_135 = arith.constant 0xFF800000 : f32
    %broadcast_in_dim3A_136 = vector.broadcast %jit3A_135 : f32 to vector<8x32768xf32>
    %select_n3A_137 = arith.select %eq3A_134, %broadcast_in_dim3A_136, %select_n3A_74 : vector<8x32768xi1>, vector<8x32768xf32>
    %reduce_max3A_138 = vector.shape_cast %select_n3A_137 : vector<8x32768xf32> to vector<1x8x32768xf32>
    %reduce_max3A_139 = arith.constant dense<0xFF800000> : vector<1xf32>
    %reduce_max3A_140 = vector.multi_reduction <maximumf>, %reduce_max3A_138, %reduce_max3A_139 [1, 2] : vector<1x8x32768xf32> to vector<1xf32>
    %reduce_max3A_141 = vector.shape_cast %reduce_max3A_140 : vector<1xf32> to vector<1x1x1xf32>
    %reduce_max3A_142 = vector.extract %reduce_max3A_141[0, 0, 0] : f32 from vector<1x1x1xf32>
    %eq3A_143 = vector.broadcast %reduce_max3A_142 : f32 to vector<8x32768xf32>
    %eq3A_144 = arith.cmpf oeq, %select_n3A_137, %eq3A_143 : vector<8x32768xf32>
    %jit3A_145 = arith.constant 1073741824 : i32
    %broadcast_in_dim3A_146 = vector.broadcast %jit3A_145 : i32 to vector<8x32768xi32>
    %select_n3A_147 = arith.select %eq3A_144, %add3A_11, %broadcast_in_dim3A_146 : vector<8x32768xi1>, vector<8x32768xi32>
    %reduce_min3A_148 = vector.shape_cast %select_n3A_147 : vector<8x32768xi32> to vector<1x8x32768xi32>
    %reduce_min3A_149 = arith.constant dense<2147483647> : vector<1xi32>
    %reduce_min3A_150 = vector.multi_reduction <minsi>, %reduce_min3A_148, %reduce_min3A_149 [1, 2] : vector<1x8x32768xi32> to vector<1xi32>
    %reduce_min3A_151 = vector.shape_cast %reduce_min3A_150 : vector<1xi32> to vector<1x1x1xi32>
    %reduce_min3A_152 = vector.extract %reduce_min3A_151[0, 0, 0] : i32 from vector<1x1x1xi32>
    %shift_right_logical3A_153 = arith.constant 15 : i32
    %shift_right_logical3A_154 = arith.shrui %reduce_min3A_152, %shift_right_logical3A_153 : i32
    %and3A_155 = arith.constant 32767 : i32
    %and3A_156 = arith.andi %reduce_min3A_152, %and3A_155 : i32
    %eq3A_157 = vector.broadcast %shift_right_logical3A_154 : i32 to vector<8x1xi32>
    %eq3A_158 = arith.cmpi eq, %iota3A_12, %eq3A_157 : vector<8x1xi32>
    %jit3A_159 = arith.constant 0.000000e+00 : f32
    %broadcast_in_dim3A_160 = vector.broadcast %jit3A_159 : f32 to vector<8x1xf32>
    %select_n3A_161 = arith.select %eq3A_158, %get3A_3, %broadcast_in_dim3A_160 : vector<8x1xi1>, vector<8x1xf32>
    %reduce_sum3A_162 = vector.shape_cast %select_n3A_161 : vector<8x1xf32> to vector<1x8x1xf32>
    %reduce_sum3A_163 = arith.constant dense<0.000000e+00> : vector<1xf32>
    %reduce_sum3A_164 = vector.multi_reduction <add>, %reduce_sum3A_162, %reduce_sum3A_163 [1, 2] : vector<1x8x1xf32> to vector<1xf32>
    %reduce_sum3A_165 = vector.shape_cast %reduce_sum3A_164 : vector<1xf32> to vector<1x1x1xf32>
    %reduce_sum3A_166 = vector.extract %reduce_sum3A_165[0, 0, 0] : f32 from vector<1x1x1xf32>
    %eq3A_167 = arith.constant 2 : i32
    %eq3A_168 = vector.broadcast %eq3A_167 : i32 to vector<1x1x8xi32>
    %eq3A_169 = arith.cmpi eq, %iota3A_13, %eq3A_168 : vector<1x1x8xi32>
    %add3A_170 = arith.addf %reduce_sum3A_166, %reduce_max3A_142 : f32
    %broadcast_in_dim3A_171 = vector.broadcast %add3A_170 : f32 to vector<1x1x8xf32>
    %select_n3A_172 = arith.select %eq3A_169, %broadcast_in_dim3A_171, %select_n3A_109 : vector<1x1x8xi1>, vector<1x1x8xf32>
    %eq3A_173 = arith.constant 2 : i32
    %eq3A_174 = vector.broadcast %eq3A_173 : i32 to vector<1x1x8xi32>
    %eq3A_175 = arith.cmpi eq, %iota3A_13, %eq3A_174 : vector<1x1x8xi32>
    %mul3A_176 = arith.constant 8 : i32
    %mul3A_177 = arith.muli %arg0, %mul3A_176 : i32
    %add3A_178 = arith.addi %mul3A_177, %shift_right_logical3A_154 : i32
    %broadcast_in_dim3A_179 = vector.broadcast %add3A_178 : i32 to vector<1x1x8xi32>
    %select_n3A_180 = arith.select %eq3A_175, %broadcast_in_dim3A_179, %select_n3A_117 : vector<1x1x8xi1>, vector<1x1x8xi32>
    %eq3A_181 = vector.broadcast %shift_right_logical3A_154 : i32 to vector<1x8x4xi32>
    %eq3A_182 = arith.cmpi eq, %iota3A_18, %eq3A_181 : vector<1x8x4xi32>
    %jit3A_183 = arith.constant 0 : i32
    %broadcast_in_dim3A_184 = vector.broadcast %jit3A_183 : i32 to vector<1x8x4xi32>
    %select_n3A_185 = arith.select %eq3A_182, %get3A_17, %broadcast_in_dim3A_184 : vector<1x8x4xi1>, vector<1x8x4xi32>
    %reduce_sum3A_186 = arith.constant dense<0> : vector<4xi32>
    %reduce_sum3A_187 = vector.multi_reduction <add>, %select_n3A_185, %reduce_sum3A_186 [0, 1] : vector<1x8x4xi32> to vector<4xi32>
    %broadcast_in_dim3A_188 = vector.broadcast %and3A_156 : i32 to vector<1xi32>
    %concatenate3A_189 = tpu.concatenate %reduce_sum3A_187, %broadcast_in_dim3A_188 in 0 : vector<4xi32>, vector<1xi32> -> vector<5xi32>
    %swap3A_190 = arith.constant 0 : index
    %swap3A_191 = arith.constant 2 : index
    %swap3A_192 = arith.constant 0 : index
    %swap3A_193 = vector.load %arg5[%swap3A_190, %swap3A_191, %swap3A_192] : memref<1x8x5xi32, #tpu.memory_space<vmem>>, vector<1x1x5xi32>
    %swap3A_194 = vector.shape_cast %swap3A_193 : vector<1x1x5xi32> to vector<5xi32>
    %swap3A_195 = vector.shape_cast %concatenate3A_189 : vector<5xi32> to vector<1x1x5xi32>
    tpu.vector_store %arg5[%swap3A_190, %swap3A_191, %swap3A_192], %swap3A_195 {strides = array<i32>} : memref<1x8x5xi32, #tpu.memory_space<vmem>>, vector<1x1x5xi32>,
    %eq3A_196 = vector.broadcast %reduce_min3A_152 : i32 to vector<8x32768xi32>
    %eq3A_197 = arith.cmpi eq, %add3A_11, %eq3A_196 : vector<8x32768xi32>
    %jit3A_198 = arith.constant 0xFF800000 : f32
    %broadcast_in_dim3A_199 = vector.broadcast %jit3A_198 : f32 to vector<8x32768xf32>
    %select_n3A_200 = arith.select %eq3A_197, %broadcast_in_dim3A_199, %select_n3A_137 : vector<8x32768xi1>, vector<8x32768xf32>
    %reduce_max3A_201 = vector.shape_cast %select_n3A_200 : vector<8x32768xf32> to vector<1x8x32768xf32>
    %reduce_max3A_202 = arith.constant dense<0xFF800000> : vector<1xf32>
    %reduce_max3A_203 = vector.multi_reduction <maximumf>, %reduce_max3A_201, %reduce_max3A_202 [1, 2] : vector<1x8x32768xf32> to vector<1xf32>
    %reduce_max3A_204 = vector.shape_cast %reduce_max3A_203 : vector<1xf32> to vector<1x1x1xf32>
    %reduce_max3A_205 = vector.extract %reduce_max3A_204[0, 0, 0] : f32 from vector<1x1x1xf32>
    %eq3A_206 = vector.broadcast %reduce_max3A_205 : f32 to vector<8x32768xf32>
    %eq3A_207 = arith.cmpf oeq, %select_n3A_200, %eq3A_206 : vector<8x32768xf32>
    %jit3A_208 = arith.constant 1073741824 : i32
    %broadcast_in_dim3A_209 = vector.broadcast %jit3A_208 : i32 to vector<8x32768xi32>
    %select_n3A_210 = arith.select %eq3A_207, %add3A_11, %broadcast_in_dim3A_209 : vector<8x32768xi1>, vector<8x32768xi32>
    %reduce_min3A_211 = vector.shape_cast %select_n3A_210 : vector<8x32768xi32> to vector<1x8x32768xi32>
    %reduce_min3A_212 = arith.constant dense<2147483647> : vector<1xi32>
    %reduce_min3A_213 = vector.multi_reduction <minsi>, %reduce_min3A_211, %reduce_min3A_212 [1, 2] : vector<1x8x32768xi32> to vector<1xi32>
    %reduce_min3A_214 = vector.shape_cast %reduce_min3A_213 : vector<1xi32> to vector<1x1x1xi32>
    %reduce_min3A_215 = vector.extract %reduce_min3A_214[0, 0, 0] : i32 from vector<1x1x1xi32>
    %shift_right_logical3A_216 = arith.constant 15 : i32
    %shift_right_logical3A_217 = arith.shrui %reduce_min3A_215, %shift_right_logical3A_216 : i32
    %and3A_218 = arith.constant 32767 : i32
    %and3A_219 = arith.andi %reduce_min3A_215, %and3A_218 : i32
    %eq3A_220 = vector.broadcast %shift_right_logical3A_217 : i32 to vector<8x1xi32>
    %eq3A_221 = arith.cmpi eq, %iota3A_12, %eq3A_220 : vector<8x1xi32>
    %jit3A_222 = arith.constant 0.000000e+00 : f32
    %broadcast_in_dim3A_223 = vector.broadcast %jit3A_222 : f32 to vector<8x1xf32>
    %select_n3A_224 = arith.select %eq3A_221, %get3A_3, %broadcast_in_dim3A_223 : vector<8x1xi1>, vector<8x1xf32>
    %reduce_sum3A_225 = vector.shape_cast %select_n3A_224 : vector<8x1xf32> to vector<1x8x1xf32>
    %reduce_sum3A_226 = arith.constant dense<0.000000e+00> : vector<1xf32>
    %reduce_sum3A_227 = vector.multi_reduction <add>, %reduce_sum3A_225, %reduce_sum3A_226 [1, 2] : vector<1x8x1xf32> to vector<1xf32>
    %reduce_sum3A_228 = vector.shape_cast %reduce_sum3A_227 : vector<1xf32> to vector<1x1x1xf32>
    %reduce_sum3A_229 = vector.extract %reduce_sum3A_228[0, 0, 0] : f32 from vector<1x1x1xf32>
    %eq3A_230 = arith.constant 3 : i32
    %eq3A_231 = vector.broadcast %eq3A_230 : i32 to vector<1x1x8xi32>
    %eq3A_232 = arith.cmpi eq, %iota3A_13, %eq3A_231 : vector<1x1x8xi32>
    %add3A_233 = arith.addf %reduce_sum3A_229, %reduce_max3A_205 : f32
    %broadcast_in_dim3A_234 = vector.broadcast %add3A_233 : f32 to vector<1x1x8xf32>
    %select_n3A_235 = arith.select %eq3A_232, %broadcast_in_dim3A_234, %select_n3A_172 : vector<1x1x8xi1>, vector<1x1x8xf32>
    %eq3A_236 = arith.constant 3 : i32
    %eq3A_237 = vector.broadcast %eq3A_236 : i32 to vector<1x1x8xi32>
    %eq3A_238 = arith.cmpi eq, %iota3A_13, %eq3A_237 : vector<1x1x8xi32>
    %mul3A_239 = arith.constant 8 : i32
    %mul3A_240 = arith.muli %arg0, %mul3A_239 : i32
    %add3A_241 = arith.addi %mul3A_240, %shift_right_logical3A_217 : i32
    %broadcast_in_dim3A_242 = vector.broadcast %add3A_241 : i32 to vector<1x1x8xi32>
    %select_n3A_243 = arith.select %eq3A_238, %broadcast_in_dim3A_242, %select_n3A_180 : vector<1x1x8xi1>, vector<1x1x8xi32>
    %eq3A_244 = vector.broadcast %shift_right_logical3A_217 : i32 to vector<1x8x4xi32>
    %eq3A_245 = arith.cmpi eq, %iota3A_18, %eq3A_244 : vector<1x8x4xi32>
    %jit3A_246 = arith.constant 0 : i32
    %broadcast_in_dim3A_247 = vector.broadcast %jit3A_246 : i32 to vector<1x8x4xi32>
    %select_n3A_248 = arith.select %eq3A_245, %get3A_17, %broadcast_in_dim3A_247 : vector<1x8x4xi1>, vector<1x8x4xi32>
    %reduce_sum3A_249 = arith.constant dense<0> : vector<4xi32>
    %reduce_sum3A_250 = vector.multi_reduction <add>, %select_n3A_248, %reduce_sum3A_249 [0, 1] : vector<1x8x4xi32> to vector<4xi32>
    %broadcast_in_dim3A_251 = vector.broadcast %and3A_219 : i32 to vector<1xi32>
    %concatenate3A_252 = tpu.concatenate %reduce_sum3A_250, %broadcast_in_dim3A_251 in 0 : vector<4xi32>, vector<1xi32> -> vector<5xi32>
    %swap3A_253 = arith.constant 0 : index
    %swap3A_254 = arith.constant 3 : index
    %swap3A_255 = arith.constant 0 : index
    %swap3A_256 = vector.load %arg5[%swap3A_253, %swap3A_254, %swap3A_255] : memref<1x8x5xi32, #tpu.memory_space<vmem>>, vector<1x1x5xi32>
    %swap3A_257 = vector.shape_cast %swap3A_256 : vector<1x1x5xi32> to vector<5xi32>
    %swap3A_258 = vector.shape_cast %concatenate3A_252 : vector<5xi32> to vector<1x1x5xi32>
    tpu.vector_store %arg5[%swap3A_253, %swap3A_254, %swap3A_255], %swap3A_258 {strides = array<i32>} : memref<1x8x5xi32, #tpu.memory_space<vmem>>, vector<1x1x5xi32>,
    %eq3A_259 = vector.broadcast %reduce_min3A_215 : i32 to vector<8x32768xi32>
    %eq3A_260 = arith.cmpi eq, %add3A_11, %eq3A_259 : vector<8x32768xi32>
    %jit3A_261 = arith.constant 0xFF800000 : f32
    %broadcast_in_dim3A_262 = vector.broadcast %jit3A_261 : f32 to vector<8x32768xf32>
    %select_n3A_263 = arith.select %eq3A_260, %broadcast_in_dim3A_262, %select_n3A_200 : vector<8x32768xi1>, vector<8x32768xf32>
    %reduce_max3A_264 = vector.shape_cast %select_n3A_263 : vector<8x32768xf32> to vector<1x8x32768xf32>
    %reduce_max3A_265 = arith.constant dense<0xFF800000> : vector<1xf32>
    %reduce_max3A_266 = vector.multi_reduction <maximumf>, %reduce_max3A_264, %reduce_max3A_265 [1, 2] : vector<1x8x32768xf32> to vector<1xf32>
    %reduce_max3A_267 = vector.shape_cast %reduce_max3A_266 : vector<1xf32> to vector<1x1x1xf32>
    %reduce_max3A_268 = vector.extract %reduce_max3A_267[0, 0, 0] : f32 from vector<1x1x1xf32>
    %eq3A_269 = vector.broadcast %reduce_max3A_268 : f32 to vector<8x32768xf32>
    %eq3A_270 = arith.cmpf oeq, %select_n3A_263, %eq3A_269 : vector<8x32768xf32>
    %jit3A_271 = arith.constant 1073741824 : i32
    %broadcast_in_dim3A_272 = vector.broadcast %jit3A_271 : i32 to vector<8x32768xi32>
    %select_n3A_273 = arith.select %eq3A_270, %add3A_11, %broadcast_in_dim3A_272 : vector<8x32768xi1>, vector<8x32768xi32>
    %reduce_min3A_274 = vector.shape_cast %select_n3A_273 : vector<8x32768xi32> to vector<1x8x32768xi32>
    %reduce_min3A_275 = arith.constant dense<2147483647> : vector<1xi32>
    %reduce_min3A_276 = vector.multi_reduction <minsi>, %reduce_min3A_274, %reduce_min3A_275 [1, 2] : vector<1x8x32768xi32> to vector<1xi32>
    %reduce_min3A_277 = vector.shape_cast %reduce_min3A_276 : vector<1xi32> to vector<1x1x1xi32>
    %reduce_min3A_278 = vector.extract %reduce_min3A_277[0, 0, 0] : i32 from vector<1x1x1xi32>
    %shift_right_logical3A_279 = arith.constant 15 : i32
    %shift_right_logical3A_280 = arith.shrui %reduce_min3A_278, %shift_right_logical3A_279 : i32
    %and3A_281 = arith.constant 32767 : i32
    %and3A_282 = arith.andi %reduce_min3A_278, %and3A_281 : i32
    %eq3A_283 = vector.broadcast %shift_right_logical3A_280 : i32 to vector<8x1xi32>
    %eq3A_284 = arith.cmpi eq, %iota3A_12, %eq3A_283 : vector<8x1xi32>
    %jit3A_285 = arith.constant 0.000000e+00 : f32
    %broadcast_in_dim3A_286 = vector.broadcast %jit3A_285 : f32 to vector<8x1xf32>
    %select_n3A_287 = arith.select %eq3A_284, %get3A_3, %broadcast_in_dim3A_286 : vector<8x1xi1>, vector<8x1xf32>
    %reduce_sum3A_288 = vector.shape_cast %select_n3A_287 : vector<8x1xf32> to vector<1x8x1xf32>
    %reduce_sum3A_289 = arith.constant dense<0.000000e+00> : vector<1xf32>
    %reduce_sum3A_290 = vector.multi_reduction <add>, %reduce_sum3A_288, %reduce_sum3A_289 [1, 2] : vector<1x8x1xf32> to vector<1xf32>
    %reduce_sum3A_291 = vector.shape_cast %reduce_sum3A_290 : vector<1xf32> to vector<1x1x1xf32>
    %reduce_sum3A_292 = vector.extract %reduce_sum3A_291[0, 0, 0] : f32 from vector<1x1x1xf32>
    %eq3A_293 = arith.constant 4 : i32
    %eq3A_294 = vector.broadcast %eq3A_293 : i32 to vector<1x1x8xi32>
    %eq3A_295 = arith.cmpi eq, %iota3A_13, %eq3A_294 : vector<1x1x8xi32>
    %add3A_296 = arith.addf %reduce_sum3A_292, %reduce_max3A_268 : f32
    %broadcast_in_dim3A_297 = vector.broadcast %add3A_296 : f32 to vector<1x1x8xf32>
    %select_n3A_298 = arith.select %eq3A_295, %broadcast_in_dim3A_297, %select_n3A_235 : vector<1x1x8xi1>, vector<1x1x8xf32>
    %eq3A_299 = arith.constant 4 : i32
    %eq3A_300 = vector.broadcast %eq3A_299 : i32 to vector<1x1x8xi32>
    %eq3A_301 = arith.cmpi eq, %iota3A_13, %eq3A_300 : vector<1x1x8xi32>
    %mul3A_302 = arith.constant 8 : i32
    %mul3A_303 = arith.muli %arg0, %mul3A_302 : i32
    %add3A_304 = arith.addi %mul3A_303, %shift_right_logical3A_280 : i32
    %broadcast_in_dim3A_305 = vector.broadcast %add3A_304 : i32 to vector<1x1x8xi32>
    %select_n3A_306 = arith.select %eq3A_301, %broadcast_in_dim3A_305, %select_n3A_243 : vector<1x1x8xi1>, vector<1x1x8xi32>
    %eq3A_307 = vector.broadcast %shift_right_logical3A_280 : i32 to vector<1x8x4xi32>
    %eq3A_308 = arith.cmpi eq, %iota3A_18, %eq3A_307 : vector<1x8x4xi32>
    %jit3A_309 = arith.constant 0 : i32
    %broadcast_in_dim3A_310 = vector.broadcast %jit3A_309 : i32 to vector<1x8x4xi32>
    %select_n3A_311 = arith.select %eq3A_308, %get3A_17, %broadcast_in_dim3A_310 : vector<1x8x4xi1>, vector<1x8x4xi32>
    %reduce_sum3A_312 = arith.constant dense<0> : vector<4xi32>
    %reduce_sum3A_313 = vector.multi_reduction <add>, %select_n3A_311, %reduce_sum3A_312 [0, 1] : vector<1x8x4xi32> to vector<4xi32>
    %broadcast_in_dim3A_314 = vector.broadcast %and3A_282 : i32 to vector<1xi32>
    %concatenate3A_315 = tpu.concatenate %reduce_sum3A_313, %broadcast_in_dim3A_314 in 0 : vector<4xi32>, vector<1xi32> -> vector<5xi32>
    %swap3A_316 = arith.constant 0 : index
    %swap3A_317 = arith.constant 4 : index
    %swap3A_318 = arith.constant 0 : index
    %swap3A_319 = vector.load %arg5[%swap3A_316, %swap3A_317, %swap3A_318] : memref<1x8x5xi32, #tpu.memory_space<vmem>>, vector<1x1x5xi32>
    %swap3A_320 = vector.shape_cast %swap3A_319 : vector<1x1x5xi32> to vector<5xi32>
    %swap3A_321 = vector.shape_cast %concatenate3A_315 : vector<5xi32> to vector<1x1x5xi32>
    tpu.vector_store %arg5[%swap3A_316, %swap3A_317, %swap3A_318], %swap3A_321 {strides = array<i32>} : memref<1x8x5xi32, #tpu.memory_space<vmem>>, vector<1x1x5xi32>,
    %eq3A_322 = vector.broadcast %reduce_min3A_278 : i32 to vector<8x32768xi32>
    %eq3A_323 = arith.cmpi eq, %add3A_11, %eq3A_322 : vector<8x32768xi32>
    %jit3A_324 = arith.constant 0xFF800000 : f32
    %broadcast_in_dim3A_325 = vector.broadcast %jit3A_324 : f32 to vector<8x32768xf32>
    %select_n3A_326 = arith.select %eq3A_323, %broadcast_in_dim3A_325, %select_n3A_263 : vector<8x32768xi1>, vector<8x32768xf32>
    %reduce_max3A_327 = vector.shape_cast %select_n3A_326 : vector<8x32768xf32> to vector<1x8x32768xf32>
    %reduce_max3A_328 = arith.constant dense<0xFF800000> : vector<1xf32>
    %reduce_max3A_329 = vector.multi_reduction <maximumf>, %reduce_max3A_327, %reduce_max3A_328 [1, 2] : vector<1x8x32768xf32> to vector<1xf32>
    %reduce_max3A_330 = vector.shape_cast %reduce_max3A_329 : vector<1xf32> to vector<1x1x1xf32>
    %reduce_max3A_331 = vector.extract %reduce_max3A_330[0, 0, 0] : f32 from vector<1x1x1xf32>
    %eq3A_332 = vector.broadcast %reduce_max3A_331 : f32 to vector<8x32768xf32>
    %eq3A_333 = arith.cmpf oeq, %select_n3A_326, %eq3A_332 : vector<8x32768xf32>
    %jit3A_334 = arith.constant 1073741824 : i32
    %broadcast_in_dim3A_335 = vector.broadcast %jit3A_334 : i32 to vector<8x32768xi32>
    %select_n3A_336 = arith.select %eq3A_333, %add3A_11, %broadcast_in_dim3A_335 : vector<8x32768xi1>, vector<8x32768xi32>
    %reduce_min3A_337 = vector.shape_cast %select_n3A_336 : vector<8x32768xi32> to vector<1x8x32768xi32>
    %reduce_min3A_338 = arith.constant dense<2147483647> : vector<1xi32>
    %reduce_min3A_339 = vector.multi_reduction <minsi>, %reduce_min3A_337, %reduce_min3A_338 [1, 2] : vector<1x8x32768xi32> to vector<1xi32>
    %reduce_min3A_340 = vector.shape_cast %reduce_min3A_339 : vector<1xi32> to vector<1x1x1xi32>
    %reduce_min3A_341 = vector.extract %reduce_min3A_340[0, 0, 0] : i32 from vector<1x1x1xi32>
    %shift_right_logical3A_342 = arith.constant 15 : i32
    %shift_right_logical3A_343 = arith.shrui %reduce_min3A_341, %shift_right_logical3A_342 : i32
    %and3A_344 = arith.constant 32767 : i32
    %and3A_345 = arith.andi %reduce_min3A_341, %and3A_344 : i32
    %eq3A_346 = vector.broadcast %shift_right_logical3A_343 : i32 to vector<8x1xi32>
    %eq3A_347 = arith.cmpi eq, %iota3A_12, %eq3A_346 : vector<8x1xi32>
    %jit3A_348 = arith.constant 0.000000e+00 : f32
    %broadcast_in_dim3A_349 = vector.broadcast %jit3A_348 : f32 to vector<8x1xf32>
    %select_n3A_350 = arith.select %eq3A_347, %get3A_3, %broadcast_in_dim3A_349 : vector<8x1xi1>, vector<8x1xf32>
    %reduce_sum3A_351 = vector.shape_cast %select_n3A_350 : vector<8x1xf32> to vector<1x8x1xf32>
    %reduce_sum3A_352 = arith.constant dense<0.000000e+00> : vector<1xf32>
    %reduce_sum3A_353 = vector.multi_reduction <add>, %reduce_sum3A_351, %reduce_sum3A_352 [1, 2] : vector<1x8x1xf32> to vector<1xf32>
    %reduce_sum3A_354 = vector.shape_cast %reduce_sum3A_353 : vector<1xf32> to vector<1x1x1xf32>
    %reduce_sum3A_355 = vector.extract %reduce_sum3A_354[0, 0, 0] : f32 from vector<1x1x1xf32>
    %eq3A_356 = arith.constant 5 : i32
    %eq3A_357 = vector.broadcast %eq3A_356 : i32 to vector<1x1x8xi32>
    %eq3A_358 = arith.cmpi eq, %iota3A_13, %eq3A_357 : vector<1x1x8xi32>
    %add3A_359 = arith.addf %reduce_sum3A_355, %reduce_max3A_331 : f32
    %broadcast_in_dim3A_360 = vector.broadcast %add3A_359 : f32 to vector<1x1x8xf32>
    %select_n3A_361 = arith.select %eq3A_358, %broadcast_in_dim3A_360, %select_n3A_298 : vector<1x1x8xi1>, vector<1x1x8xf32>
    %eq3A_362 = arith.constant 5 : i32
    %eq3A_363 = vector.broadcast %eq3A_362 : i32 to vector<1x1x8xi32>
    %eq3A_364 = arith.cmpi eq, %iota3A_13, %eq3A_363 : vector<1x1x8xi32>
    %mul3A_365 = arith.constant 8 : i32
    %mul3A_366 = arith.muli %arg0, %mul3A_365 : i32
    %add3A_367 = arith.addi %mul3A_366, %shift_right_logical3A_343 : i32
    %broadcast_in_dim3A_368 = vector.broadcast %add3A_367 : i32 to vector<1x1x8xi32>
    %select_n3A_369 = arith.select %eq3A_364, %broadcast_in_dim3A_368, %select_n3A_306 : vector<1x1x8xi1>, vector<1x1x8xi32>
    %eq3A_370 = vector.broadcast %shift_right_logical3A_343 : i32 to vector<1x8x4xi32>
    %eq3A_371 = arith.cmpi eq, %iota3A_18, %eq3A_370 : vector<1x8x4xi32>
    %jit3A_372 = arith.constant 0 : i32
    %broadcast_in_dim3A_373 = vector.broadcast %jit3A_372 : i32 to vector<1x8x4xi32>
    %select_n3A_374 = arith.select %eq3A_371, %get3A_17, %broadcast_in_dim3A_373 : vector<1x8x4xi1>, vector<1x8x4xi32>
    %reduce_sum3A_375 = arith.constant dense<0> : vector<4xi32>
    %reduce_sum3A_376 = vector.multi_reduction <add>, %select_n3A_374, %reduce_sum3A_375 [0, 1] : vector<1x8x4xi32> to vector<4xi32>
    %broadcast_in_dim3A_377 = vector.broadcast %and3A_345 : i32 to vector<1xi32>
    %concatenate3A_378 = tpu.concatenate %reduce_sum3A_376, %broadcast_in_dim3A_377 in 0 : vector<4xi32>, vector<1xi32> -> vector<5xi32>
    %swap3A_379 = arith.constant 0 : index
    %swap3A_380 = arith.constant 5 : index
    %swap3A_381 = arith.constant 0 : index
    %swap3A_382 = vector.load %arg5[%swap3A_379, %swap3A_380, %swap3A_381] : memref<1x8x5xi32, #tpu.memory_space<vmem>>, vector<1x1x5xi32>
    %swap3A_383 = vector.shape_cast %swap3A_382 : vector<1x1x5xi32> to vector<5xi32>
    %swap3A_384 = vector.shape_cast %concatenate3A_378 : vector<5xi32> to vector<1x1x5xi32>
    tpu.vector_store %arg5[%swap3A_379, %swap3A_380, %swap3A_381], %swap3A_384 {strides = array<i32>} : memref<1x8x5xi32, #tpu.memory_space<vmem>>, vector<1x1x5xi32>,
    %eq3A_385 = vector.broadcast %reduce_min3A_341 : i32 to vector<8x32768xi32>
    %eq3A_386 = arith.cmpi eq, %add3A_11, %eq3A_385 : vector<8x32768xi32>
    %jit3A_387 = arith.constant 0xFF800000 : f32
    %broadcast_in_dim3A_388 = vector.broadcast %jit3A_387 : f32 to vector<8x32768xf32>
    %select_n3A_389 = arith.select %eq3A_386, %broadcast_in_dim3A_388, %select_n3A_326 : vector<8x32768xi1>, vector<8x32768xf32>
    %reduce_max3A_390 = vector.shape_cast %select_n3A_389 : vector<8x32768xf32> to vector<1x8x32768xf32>
    %reduce_max3A_391 = arith.constant dense<0xFF800000> : vector<1xf32>
    %reduce_max3A_392 = vector.multi_reduction <maximumf>, %reduce_max3A_390, %reduce_max3A_391 [1, 2] : vector<1x8x32768xf32> to vector<1xf32>
    %reduce_max3A_393 = vector.shape_cast %reduce_max3A_392 : vector<1xf32> to vector<1x1x1xf32>
    %reduce_max3A_394 = vector.extract %reduce_max3A_393[0, 0, 0] : f32 from vector<1x1x1xf32>
    %eq3A_395 = vector.broadcast %reduce_max3A_394 : f32 to vector<8x32768xf32>
    %eq3A_396 = arith.cmpf oeq, %select_n3A_389, %eq3A_395 : vector<8x32768xf32>
    %jit3A_397 = arith.constant 1073741824 : i32
    %broadcast_in_dim3A_398 = vector.broadcast %jit3A_397 : i32 to vector<8x32768xi32>
    %select_n3A_399 = arith.select %eq3A_396, %add3A_11, %broadcast_in_dim3A_398 : vector<8x32768xi1>, vector<8x32768xi32>
    %reduce_min3A_400 = vector.shape_cast %select_n3A_399 : vector<8x32768xi32> to vector<1x8x32768xi32>
    %reduce_min3A_401 = arith.constant dense<2147483647> : vector<1xi32>
    %reduce_min3A_402 = vector.multi_reduction <minsi>, %reduce_min3A_400, %reduce_min3A_401 [1, 2] : vector<1x8x32768xi32> to vector<1xi32>
    %reduce_min3A_403 = vector.shape_cast %reduce_min3A_402 : vector<1xi32> to vector<1x1x1xi32>
    %reduce_min3A_404 = vector.extract %reduce_min3A_403[0, 0, 0] : i32 from vector<1x1x1xi32>
    %shift_right_logical3A_405 = arith.constant 15 : i32
    %shift_right_logical3A_406 = arith.shrui %reduce_min3A_404, %shift_right_logical3A_405 : i32
    %and3A_407 = arith.constant 32767 : i32
    %and3A_408 = arith.andi %reduce_min3A_404, %and3A_407 : i32
    %eq3A_409 = vector.broadcast %shift_right_logical3A_406 : i32 to vector<8x1xi32>
    %eq3A_410 = arith.cmpi eq, %iota3A_12, %eq3A_409 : vector<8x1xi32>
    %jit3A_411 = arith.constant 0.000000e+00 : f32
    %broadcast_in_dim3A_412 = vector.broadcast %jit3A_411 : f32 to vector<8x1xf32>
    %select_n3A_413 = arith.select %eq3A_410, %get3A_3, %broadcast_in_dim3A_412 : vector<8x1xi1>, vector<8x1xf32>
    %reduce_sum3A_414 = vector.shape_cast %select_n3A_413 : vector<8x1xf32> to vector<1x8x1xf32>
    %reduce_sum3A_415 = arith.constant dense<0.000000e+00> : vector<1xf32>
    %reduce_sum3A_416 = vector.multi_reduction <add>, %reduce_sum3A_414, %reduce_sum3A_415 [1, 2] : vector<1x8x1xf32> to vector<1xf32>
    %reduce_sum3A_417 = vector.shape_cast %reduce_sum3A_416 : vector<1xf32> to vector<1x1x1xf32>
    %reduce_sum3A_418 = vector.extract %reduce_sum3A_417[0, 0, 0] : f32 from vector<1x1x1xf32>
    %eq3A_419 = arith.constant 6 : i32
    %eq3A_420 = vector.broadcast %eq3A_419 : i32 to vector<1x1x8xi32>
    %eq3A_421 = arith.cmpi eq, %iota3A_13, %eq3A_420 : vector<1x1x8xi32>
    %add3A_422 = arith.addf %reduce_sum3A_418, %reduce_max3A_394 : f32
    %broadcast_in_dim3A_423 = vector.broadcast %add3A_422 : f32 to vector<1x1x8xf32>
    %select_n3A_424 = arith.select %eq3A_421, %broadcast_in_dim3A_423, %select_n3A_361 : vector<1x1x8xi1>, vector<1x1x8xf32>
    %eq3A_425 = arith.constant 6 : i32
    %eq3A_426 = vector.broadcast %eq3A_425 : i32 to vector<1x1x8xi32>
    %eq3A_427 = arith.cmpi eq, %iota3A_13, %eq3A_426 : vector<1x1x8xi32>
    %mul3A_428 = arith.constant 8 : i32
    %mul3A_429 = arith.muli %arg0, %mul3A_428 : i32
    %add3A_430 = arith.addi %mul3A_429, %shift_right_logical3A_406 : i32
    %broadcast_in_dim3A_431 = vector.broadcast %add3A_430 : i32 to vector<1x1x8xi32>
    %select_n3A_432 = arith.select %eq3A_427, %broadcast_in_dim3A_431, %select_n3A_369 : vector<1x1x8xi1>, vector<1x1x8xi32>
    %eq3A_433 = vector.broadcast %shift_right_logical3A_406 : i32 to vector<1x8x4xi32>
    %eq3A_434 = arith.cmpi eq, %iota3A_18, %eq3A_433 : vector<1x8x4xi32>
    %jit3A_435 = arith.constant 0 : i32
    %broadcast_in_dim3A_436 = vector.broadcast %jit3A_435 : i32 to vector<1x8x4xi32>
    %select_n3A_437 = arith.select %eq3A_434, %get3A_17, %broadcast_in_dim3A_436 : vector<1x8x4xi1>, vector<1x8x4xi32>
    %reduce_sum3A_438 = arith.constant dense<0> : vector<4xi32>
    %reduce_sum3A_439 = vector.multi_reduction <add>, %select_n3A_437, %reduce_sum3A_438 [0, 1] : vector<1x8x4xi32> to vector<4xi32>
    %broadcast_in_dim3A_440 = vector.broadcast %and3A_408 : i32 to vector<1xi32>
    %concatenate3A_441 = tpu.concatenate %reduce_sum3A_439, %broadcast_in_dim3A_440 in 0 : vector<4xi32>, vector<1xi32> -> vector<5xi32>
    %swap3A_442 = arith.constant 0 : index
    %swap3A_443 = arith.constant 6 : index
    %swap3A_444 = arith.constant 0 : index
    %swap3A_445 = vector.load %arg5[%swap3A_442, %swap3A_443, %swap3A_444] : memref<1x8x5xi32, #tpu.memory_space<vmem>>, vector<1x1x5xi32>
    %swap3A_446 = vector.shape_cast %swap3A_445 : vector<1x1x5xi32> to vector<5xi32>
    %swap3A_447 = vector.shape_cast %concatenate3A_441 : vector<5xi32> to vector<1x1x5xi32>
    tpu.vector_store %arg5[%swap3A_442, %swap3A_443, %swap3A_444], %swap3A_447 {strides = array<i32>} : memref<1x8x5xi32, #tpu.memory_space<vmem>>, vector<1x1x5xi32>,
    %eq3A_448 = vector.broadcast %reduce_min3A_404 : i32 to vector<8x32768xi32>
    %eq3A_449 = arith.cmpi eq, %add3A_11, %eq3A_448 : vector<8x32768xi32>
    %jit3A_450 = arith.constant 0xFF800000 : f32
    %broadcast_in_dim3A_451 = vector.broadcast %jit3A_450 : f32 to vector<8x32768xf32>
    %select_n3A_452 = arith.select %eq3A_449, %broadcast_in_dim3A_451, %select_n3A_389 : vector<8x32768xi1>, vector<8x32768xf32>
    %reduce_max3A_453 = vector.shape_cast %select_n3A_452 : vector<8x32768xf32> to vector<1x8x32768xf32>
    %reduce_max3A_454 = arith.constant dense<0xFF800000> : vector<1xf32>
    %reduce_max3A_455 = vector.multi_reduction <maximumf>, %reduce_max3A_453, %reduce_max3A_454 [1, 2] : vector<1x8x32768xf32> to vector<1xf32>
    %reduce_max3A_456 = vector.shape_cast %reduce_max3A_455 : vector<1xf32> to vector<1x1x1xf32>
    %reduce_max3A_457 = vector.extract %reduce_max3A_456[0, 0, 0] : f32 from vector<1x1x1xf32>
    %eq3A_458 = vector.broadcast %reduce_max3A_457 : f32 to vector<8x32768xf32>
    %eq3A_459 = arith.cmpf oeq, %select_n3A_452, %eq3A_458 : vector<8x32768xf32>
    %jit3A_460 = arith.constant 1073741824 : i32
    %broadcast_in_dim3A_461 = vector.broadcast %jit3A_460 : i32 to vector<8x32768xi32>
    %select_n3A_462 = arith.select %eq3A_459, %add3A_11, %broadcast_in_dim3A_461 : vector<8x32768xi1>, vector<8x32768xi32>
    %reduce_min3A_463 = vector.shape_cast %select_n3A_462 : vector<8x32768xi32> to vector<1x8x32768xi32>
    %reduce_min3A_464 = arith.constant dense<2147483647> : vector<1xi32>
    %reduce_min3A_465 = vector.multi_reduction <minsi>, %reduce_min3A_463, %reduce_min3A_464 [1, 2] : vector<1x8x32768xi32> to vector<1xi32>
    %reduce_min3A_466 = vector.shape_cast %reduce_min3A_465 : vector<1xi32> to vector<1x1x1xi32>
    %reduce_min3A_467 = vector.extract %reduce_min3A_466[0, 0, 0] : i32 from vector<1x1x1xi32>
    %shift_right_logical3A_468 = arith.constant 15 : i32
    %shift_right_logical3A_469 = arith.shrui %reduce_min3A_467, %shift_right_logical3A_468 : i32
    %and3A_470 = arith.constant 32767 : i32
    %and3A_471 = arith.andi %reduce_min3A_467, %and3A_470 : i32
    %eq3A_472 = vector.broadcast %shift_right_logical3A_469 : i32 to vector<8x1xi32>
    %eq3A_473 = arith.cmpi eq, %iota3A_12, %eq3A_472 : vector<8x1xi32>
    %jit3A_474 = arith.constant 0.000000e+00 : f32
    %broadcast_in_dim3A_475 = vector.broadcast %jit3A_474 : f32 to vector<8x1xf32>
    %select_n3A_476 = arith.select %eq3A_473, %get3A_3, %broadcast_in_dim3A_475 : vector<8x1xi1>, vector<8x1xf32>
    %reduce_sum3A_477 = vector.shape_cast %select_n3A_476 : vector<8x1xf32> to vector<1x8x1xf32>
    %reduce_sum3A_478 = arith.constant dense<0.000000e+00> : vector<1xf32>
    %reduce_sum3A_479 = vector.multi_reduction <add>, %reduce_sum3A_477, %reduce_sum3A_478 [1, 2] : vector<1x8x1xf32> to vector<1xf32>
    %reduce_sum3A_480 = vector.shape_cast %reduce_sum3A_479 : vector<1xf32> to vector<1x1x1xf32>
    %reduce_sum3A_481 = vector.extract %reduce_sum3A_480[0, 0, 0] : f32 from vector<1x1x1xf32>
    %eq3A_482 = arith.constant 7 : i32
    %eq3A_483 = vector.broadcast %eq3A_482 : i32 to vector<1x1x8xi32>
    %eq3A_484 = arith.cmpi eq, %iota3A_13, %eq3A_483 : vector<1x1x8xi32>
    %add3A_485 = arith.addf %reduce_sum3A_481, %reduce_max3A_457 : f32
    %broadcast_in_dim3A_486 = vector.broadcast %add3A_485 : f32 to vector<1x1x8xf32>
    %select_n3A_487 = arith.select %eq3A_484, %broadcast_in_dim3A_486, %select_n3A_424 : vector<1x1x8xi1>, vector<1x1x8xf32>
    %eq3A_488 = arith.constant 7 : i32
    %eq3A_489 = vector.broadcast %eq3A_488 : i32 to vector<1x1x8xi32>
    %eq3A_490 = arith.cmpi eq, %iota3A_13, %eq3A_489 : vector<1x1x8xi32>
    %mul3A_491 = arith.constant 8 : i32
    %mul3A_492 = arith.muli %arg0, %mul3A_491 : i32
    %add3A_493 = arith.addi %mul3A_492, %shift_right_logical3A_469 : i32
    %broadcast_in_dim3A_494 = vector.broadcast %add3A_493 : i32 to vector<1x1x8xi32>
    %select_n3A_495 = arith.select %eq3A_490, %broadcast_in_dim3A_494, %select_n3A_432 : vector<1x1x8xi1>, vector<1x1x8xi32>
    %eq3A_496 = vector.broadcast %shift_right_logical3A_469 : i32 to vector<1x8x4xi32>
    %eq3A_497 = arith.cmpi eq, %iota3A_18, %eq3A_496 : vector<1x8x4xi32>
    %jit3A_498 = arith.constant 0 : i32
    %broadcast_in_dim3A_499 = vector.broadcast %jit3A_498 : i32 to vector<1x8x4xi32>
    %select_n3A_500 = arith.select %eq3A_497, %get3A_17, %broadcast_in_dim3A_499 : vector<1x8x4xi1>, vector<1x8x4xi32>
    %reduce_sum3A_501 = arith.constant dense<0> : vector<4xi32>
    %reduce_sum3A_502 = vector.multi_reduction <add>, %select_n3A_500, %reduce_sum3A_501 [0, 1] : vector<1x8x4xi32> to vector<4xi32>
    %broadcast_in_dim3A_503 = vector.broadcast %and3A_471 : i32 to vector<1xi32>
    %concatenate3A_504 = tpu.concatenate %reduce_sum3A_502, %broadcast_in_dim3A_503 in 0 : vector<4xi32>, vector<1xi32> -> vector<5xi32>
    %swap3A_505 = arith.constant 0 : index
    %swap3A_506 = arith.constant 7 : index
    %swap3A_507 = arith.constant 0 : index
    %swap3A_508 = vector.load %arg5[%swap3A_505, %swap3A_506, %swap3A_507] : memref<1x8x5xi32, #tpu.memory_space<vmem>>, vector<1x1x5xi32>
    %swap3A_509 = vector.shape_cast %swap3A_508 : vector<1x1x5xi32> to vector<5xi32>
    %swap3A_510 = vector.shape_cast %concatenate3A_504 : vector<5xi32> to vector<1x1x5xi32>
    tpu.vector_store %arg5[%swap3A_505, %swap3A_506, %swap3A_507], %swap3A_510 {strides = array<i32>} : memref<1x8x5xi32, #tpu.memory_space<vmem>>, vector<1x1x5xi32>,
    %swap3A_511 = arith.constant 0 : index
    %swap3A_512 = arith.constant 0 : index
    %swap3A_513 = arith.constant 0 : index
    %swap3A_514 = vector.load %arg4[%swap3A_511, %swap3A_512, %swap3A_513] : memref<1x1x8xf32, #tpu.memory_space<vmem>>, vector<1x1x8xf32>
    tpu.vector_store %arg4[%swap3A_511, %swap3A_512, %swap3A_513], %select_n3A_487 {strides = array<i32>} : memref<1x1x8xf32, #tpu.memory_space<vmem>>, vector<1x1x8xf32>,
    %swap3A_515 = arith.constant 0 : index
    %swap3A_516 = arith.constant 0 : index
    %swap3A_517 = arith.constant 0 : index
    %swap3A_518 = vector.load %arg6[%swap3A_515, %swap3A_516, %swap3A_517] : memref<1x1x8xi32, #tpu.memory_space<vmem>>, vector<1x1x8xi32>
    tpu.vector_store %arg6[%swap3A_515, %swap3A_516, %swap3A_517], %select_n3A_495 {strides = array<i32>} : memref<1x1x8xi32, #tpu.memory_space<vmem>>, vector<1x1x8xi32>,
    return
  }
  func.func @transform_0(%arg0: i32) -> (i32, i32) {
    %c0_i32 = arith.constant 0 : i32
    %c0_i32_0 = arith.constant 0 : i32
    return %arg0, %c0_i32 : i32, i32
  }
  func.func @transform_1(%arg0: i32) -> (i32, i32, i32) {
    %c0_i32 = arith.constant 0 : i32
    %c0_i32_0 = arith.constant 0 : i32
    %c0_i32_1 = arith.constant 0 : i32
    return %arg0, %c0_i32, %c0_i32_0 : i32, i32, i32
  }
  func.func @transform_2(%arg0: i32) -> (i32, i32, i32) {
    %c0_i32 = arith.constant 0 : i32
    %c0_i32_0 = arith.constant 0 : i32
    %c0_i32_1 = arith.constant 0 : i32
    return %arg0, %c0_i32, %c0_i32_0 : i32, i32, i32
  }
  func.func @transform_3(%arg0: i32) -> (i32, i32, i32) {
    %c0_i32 = arith.constant 0 : i32
    %c0_i32_0 = arith.constant 0 : i32
    %c0_i32_1 = arith.constant 0 : i32
    return %arg0, %c0_i32, %c0_i32_0 : i32, i32, i32
  }
  func.func @transform_4(%arg0: i32) -> (i32, i32, i32) {
    %c0_i32 = arith.constant 0 : i32
    %c0_i32_0 = arith.constant 0 : i32
    %c0_i32_1 = arith.constant 0 : i32
    return %arg0, %c0_i32, %c0_i32_0 : i32, i32, i32
  }
  func.func @transform_5(%arg0: i32) -> (i32, i32, i32) {
    %c0_i32 = arith.constant 0 : i32
    %c0_i32_0 = arith.constant 0 : i32
    %c0_i32_1 = arith.constant 0 : i32
    return %arg0, %c0_i32, %c0_i32_0 : i32, i32, i32
  }
}

module attributes {stable_mosaic.version = 14 : i64} {
  func.func @_gather_body(%arg0: i32, %arg1: memref<128xi32, #tpu.memory_space<smem>>, %arg2: memref<1x4x32768xf32, #tpu.memory_space<vmem>>, %arg3: memref<1x1x32768xf32, #tpu.memory_space<vmem>>, %arg4: memref<2x1x1x1024xf32, #tpu.memory_space<vmem>>, %arg5: memref<1x5x32768xf32, #tpu.memory_space<vmem>>, %arg6: memref<2x1x1x1024xf32, #tpu.memory_space<vmem>>) attributes {dimension_semantics = [#tpu.dimension_semantics<arbitrary>], iteration_bounds = array<i64: 128>, scalar_prefetch = 1 : i64, scratch_operands = 0 : i64, tpu.core_type = #tpu.core_type<tc>, window_params = [{transform_indices = @transform_0, window_bounds = array<i64: 1, 4, 32768>}, {transform_indices = @transform_1, window_bounds = array<i64: 1, 1, 32768>}, {transform_indices = @transform_2, window_bounds = array<i64: 2, 1, 1, 1024>}, {transform_indices = @transform_3, window_bounds = array<i64: 1, 5, 32768>}, {transform_indices = @transform_4, window_bounds = array<i64: 2, 1, 1, 1024>}]} {
    %get3A = arith.constant 0 : index
    %get3A_0 = arith.constant 0 : index
    %get3A_1 = arith.constant 0 : index
    %get3A_2 = vector.load %arg2[%get3A, %get3A_0, %get3A_1] : memref<1x4x32768xf32, #tpu.memory_space<vmem>>, vector<1x4x32768xf32>
    %get3A_3 = vector.shape_cast %get3A_2 : vector<1x4x32768xf32> to vector<4x32768xf32>
    %swap3A = arith.constant 0 : index
    %swap3A_4 = arith.constant 0 : index
    %swap3A_5 = arith.constant 0 : index
    %swap3A_6 = vector.load %arg5[%swap3A, %swap3A_4, %swap3A_5] : memref<1x5x32768xf32, #tpu.memory_space<vmem>>, vector<1x4x32768xf32>
    %swap3A_7 = vector.shape_cast %swap3A_6 : vector<1x4x32768xf32> to vector<4x32768xf32>
    %swap3A_8 = vector.shape_cast %get3A_3 : vector<4x32768xf32> to vector<1x4x32768xf32>
    tpu.vector_store %arg5[%swap3A, %swap3A_4, %swap3A_5], %swap3A_8 {strides = array<i32>} : memref<1x5x32768xf32, #tpu.memory_space<vmem>>, vector<1x4x32768xf32>,
    %get3A_9 = arith.constant 0 : index
    %get3A_10 = arith.constant 0 : index
    %get3A_11 = arith.constant 0 : index
    %get3A_12 = vector.load %arg3[%get3A_9, %get3A_10, %get3A_11] : memref<1x1x32768xf32, #tpu.memory_space<vmem>>, vector<1x1x32768xf32>
    %get3A_13 = vector.shape_cast %get3A_12 : vector<1x1x32768xf32> to vector<32768xf32>
    %swap3A_14 = arith.constant 0 : index
    %swap3A_15 = arith.constant 4 : index
    %swap3A_16 = arith.constant 0 : index
    %swap3A_17 = vector.load %arg5[%swap3A_14, %swap3A_15, %swap3A_16] : memref<1x5x32768xf32, #tpu.memory_space<vmem>>, vector<1x1x32768xf32>
    %swap3A_18 = vector.shape_cast %swap3A_17 : vector<1x1x32768xf32> to vector<32768xf32>
    %swap3A_19 = vector.shape_cast %get3A_13 : vector<32768xf32> to vector<1x1x32768xf32>
    tpu.vector_store %arg5[%swap3A_14, %swap3A_15, %swap3A_16], %swap3A_19 {strides = array<i32>} : memref<1x5x32768xf32, #tpu.memory_space<vmem>>, vector<1x1x32768xf32>,
    %get3A_20 = arith.constant 0 : index
    %get3A_21 = arith.constant 0 : index
    %get3A_22 = arith.constant 0 : index
    %get3A_23 = arith.constant 0 : index
    %get3A_24 = vector.load %arg4[%get3A_20, %get3A_21, %get3A_22, %get3A_23] : memref<2x1x1x1024xf32, #tpu.memory_space<vmem>>, vector<2x1x1x1024xf32>
    %swap3A_25 = arith.constant 0 : index
    %swap3A_26 = arith.constant 0 : index
    %swap3A_27 = arith.constant 0 : index
    %swap3A_28 = arith.constant 0 : index
    %swap3A_29 = vector.load %arg6[%swap3A_25, %swap3A_26, %swap3A_27, %swap3A_28] : memref<2x1x1x1024xf32, #tpu.memory_space<vmem>>, vector<2x1x1x1024xf32>
    tpu.vector_store %arg6[%swap3A_25, %swap3A_26, %swap3A_27, %swap3A_28], %get3A_24 {strides = array<i32>} : memref<2x1x1x1024xf32, #tpu.memory_space<vmem>>, vector<2x1x1x1024xf32>,
    return
  }
  func.func @transform_0(%arg0: i32, %arg1: memref<128xi32, #tpu.memory_space<smem>>) -> (i32, i32, i32) {
    %get3A = arith.index_cast %arg0 : i32 to index
    %get3A_0 = memref.load %arg1[%get3A] : memref<128xi32, #tpu.memory_space<smem>>
    %c0_i32 = arith.constant 0 : i32
    %c0_i32_1 = arith.constant 0 : i32
    %c0_i32_2 = arith.constant 0 : i32
    return %get3A_0, %c0_i32, %c0_i32_1 : i32, i32, i32
  }
  func.func @transform_1(%arg0: i32, %arg1: memref<128xi32, #tpu.memory_space<smem>>) -> (i32, i32, i32) {
    %get3A = arith.index_cast %arg0 : i32 to index
    %get3A_0 = memref.load %arg1[%get3A] : memref<128xi32, #tpu.memory_space<smem>>
    %c0_i32 = arith.constant 0 : i32
    %c0_i32_1 = arith.constant 0 : i32
    %c0_i32_2 = arith.constant 0 : i32
    return %get3A_0, %c0_i32, %c0_i32_1 : i32, i32, i32
  }
  func.func @transform_2(%arg0: i32, %arg1: memref<128xi32, #tpu.memory_space<smem>>) -> (i32, i32, i32, i32) {
    %get3A = arith.index_cast %arg0 : i32 to index
    %get3A_0 = memref.load %arg1[%get3A] : memref<128xi32, #tpu.memory_space<smem>>
    %c0_i32 = arith.constant 0 : i32
    %c0_i32_1 = arith.constant 0 : i32
    %c0_i32_2 = arith.constant 0 : i32
    %c0_i32_3 = arith.constant 0 : i32
    return %c0_i32, %get3A_0, %c0_i32_1, %c0_i32_2 : i32, i32, i32, i32
  }
  func.func @transform_3(%arg0: i32, %arg1: memref<128xi32, #tpu.memory_space<smem>>) -> (i32, i32, i32) {
    %c0_i32 = arith.constant 0 : i32
    %c0_i32_0 = arith.constant 0 : i32
    %c0_i32_1 = arith.constant 0 : i32
    return %arg0, %c0_i32, %c0_i32_0 : i32, i32, i32
  }
  func.func @transform_4(%arg0: i32, %arg1: memref<128xi32, #tpu.memory_space<smem>>) -> (i32, i32, i32, i32) {
    %c0_i32 = arith.constant 0 : i32
    %c0_i32_0 = arith.constant 0 : i32
    %c0_i32_1 = arith.constant 0 : i32
    %c0_i32_2 = arith.constant 0 : i32
    return %c0_i32, %arg0, %c0_i32_0, %c0_i32_1 : i32, i32, i32, i32
  }
}

</mosaic_0001>

<sc_bundles>
// kernel: sparse-core-data-format-call.cloned.1.call-start
scs
called_computation_lowered:
.L_overlay_start_0:
0x0: {  	s2 =	sld [smem:$0x3FD9]  }
0x1: {  	s3 =	sld [smem:$0x3FFE];
	_ =	sdelay $0x1  }
0x2: {  	s1 =	srdreg.scid  }
0x3: {  	s0 =	sand.u32 $0x1, s1  }
0x4: {  	s15 =	sshll.u32 s0, $0xA;
	s2 =	sadd.s32 s3, s2  }
0x5: {  	s2 =	sadd.s32 s2, s15  }
0x6: {  	[smem:$0x3FC3] =	sst s2  }
0x7: {  	_ = 	snop  }
0x8: {  	s2 =	sld [smem:$0x3FD0];
	_ =	sdelay $0x2  }
0x9: {  	s16 =	simm.s32 $0xA;
	s4 =	simm.s32 $0x10  }
0xa: {  	[smem:s4], [sflag:s16] =	dma.local [hbm:s2], $0x1  }
0xb: {  	_ =	swait.eq [sflag:s16], $0x1  }
0xc: {  	[sflag:s16] =	ssyncset.done $0x0  }
0xd: {  	[sflag:s16] =	ssyncadd.s32 $0xFFFFFFFF  }
0xe: {  	s17 =	sld [smem:$0x11];
	(tm) =	ssettm $0x1  }
0xf: {  	s18 =	sld [smem:$0x3FFB];
	_ =	sdelay $0x3  }
0x10: {  	_ =	strace s18  }
0x11: {  	s3 =	sld [smem:$0x3FFC];
	_ =	sdelay $0x3  }
0x12: {  	_ =	strace s3  }
0x13: {  	s3 =	sld [smem:$0x3FFD];
	_ =	sdelay $0x3  }
0x14: {  	_ =	strace s3  }
0x15: {  	_ =	strace $0x8FFFFFFF  }
0x16: {  	s19 =	sld [smem:$0x3FDB];
	_ =	sdelay $0x1  }
0x17: {  	s20 =	simm.s32 $_scs_section_size  }
0x18: {  	s5 =	simm.s32 $_size__tile_overlayer_lowered;
	s6 =	simm.s32 $_tile_overlayer_lowered  }
0x19: {  	s23 =	simm.s32 $0x1BFF;
	s22 =	sshll.u32 s6, $0x1;
	s3 =	sadd.s32 s20, s19  }
0x1a: {  	s7 =	simm.s32 $0x0;
	s21 =	sshll.u32 s5, $0x1;
	s5 =	sadd.s32 s22, s3  }
0x1b: {  	[timem:s7], [sflag:s23] =	dma.local [hbm:s5], s21  }
0x1c: {  	_ =	swait.ge [sflag:s23], s21  }
0x1d: {  	s4 =	ssub.s32 $0x0, s21;
	[sflag:s23] =	ssyncset.done $0x0  }
0x1e: {  	[sflag:s23] =	ssyncadd.s32 s4;
	_ =	sdelay $0x1  }
0x1f: {  	s24 =	simm.s32 $0x1B8B  }
0x20: {  	_ =	swait.ge [sflag:s24], $0x1  }
0x21: {  	[sflag:s24] =	ssyncset.done $0x0  }
0x22: {  	s26 =	simm.s32 $0x1B8E;
	s25 =	sld [smem:$0x3FFE];
	[sflag:s24] =	ssyncadd.s32 $0xFFFFFFFF  }
0x23: {  	s27 =	simm.s32 $execute0_lowered;
	[smem:$0x3FD2] =	sst s26  }
0x24: {  	s5 =	sshll.u32 s27, $0x1;
	_ =	strace $0x80000046;
	[dreg:$0x1] =	wrdreg $0xFFFFFFFF  }
0x25: {  	s28 =	simm.s32 $_size_execute0_lowered;
	s3 =	sadd.s32 s3, s5;
	[dreg:$0x0] =	wrdreg $0x0  }
0x26: {  	s5 =	sshll.u32 s28, $0x1;
	[dreg:$0x2] =	wrdreg s3  }
0x27: {  	[dreg:$0x3] =	wrdreg s5  }
0x28: {  	[dreg:$0x4] =	wrdreg $0xC0  }
0x29: {  	_ =	task [dreg:s7], $0x5FFFF  }
0x2a: {  	[dreg:$0x1] =	wrdreg $0xFFFFFFFF  }
0x2b: {  	[dreg:$0x0] =	wrdreg $0x60  }
0x2c: {  	[dreg:$0x2] =	wrdreg s25  }
0x2d: {  	[dreg:$0x3] =	wrdreg s17  }
0x2e: {  	[dreg:$0x4] =	wrdreg $0x9  }
0x2f: {  	_ =	task.clear_ibuf [dreg:s7], $0x5FFFF;
	_ =	strace $0x90000046  }
0x30: {  	s29 =	simm.s32 $0x9;
	_ =	strace $0x80000048  }
0x31: {  	_ =	swait.ge [sflag:s29], $0x1  }
0x32: {  	[sflag:s29] =	ssyncadd.s32 $0xFFFFFFFF  }
0x33: {  	_ =	strace $0x90000048  }
0x34: {  	_ =	sfence  }
0x35: {  	s30 =	sld [smem:$0x0];
	_ =	sdelay $0x2  }
0x36: {  	s31 =	sshll.u32 s1, $0xD;
	s1 =	sshrl.u32 s1, $0x2  }
0x37: {  	s3 =	sand.u32 $0x4000, s31;
	s1 =	sadd.s32 s1, s30  }
0x38: {  	s0 =	sor.u32 s3, s0;
	s1 =	sshll.u32 s1, $0x11  }
0x39: {  	s0 =	sor.u32 s1, s0  }
0x3a: {  	s0 =	sadd.s32 $0x8F2B, s0  }
0x3b: {  	[sflag:s0] =	ssyncadd.remote.s32 $0x1  }
0x3c: {  	_ =	sfence.sel $0xFFFF  }
0x3d: {  	[dreg:$0x0] =	wrdreg $0xFFFFFFFF;
	(pc) =	sbr.abs _section_cstart, $3  }
0x3e: {  	[dreg:$0x1] =	wrdreg $0xFFFFFFFF  }
0x3f: {  	_ =	task.clear_ibuf [dreg:s7], $0x2FFFF;
	_ =	strace $0x9FFFFFFF  }
0x40: {  	(tm) =	ssettm $0x7FFFFFFF  }
0x41: {  	_ =	shalt  }
tec
execute0_lowered:
.L_overlay_start_1:
0x0: {  	(tag) =	ssettag $0x1  }
0x1: {  	s0 =	srdreg.scid  }
0x2: {  	s6 =	rddreg [dreg:$0x0];
	s1 =	sshll.u32 s0, $0x4  }
0x3: {  	s4 =	simm.s32 $0x1;
	s0 =	stileid.u32;
	s1 =	sand.u32 $0x10, s1  }
0x4: {  	s7 =	simm.s32 $0x2;
	s15 =	simm.s32 $0x0;
	s1 =	sor.u32 s0, s1  }
0x5: {  	s8 =	simm.s32 $0x140000;
	s9 =	simm.s32 $0x0;
	s2 =	sshll.u32 s1, $0x7  }
0x6: {  	s16 =	simm.s32 $0x0;
	s18 =	simm.s32 $0x0;
	s1 =	ssub.s32 $0x8000, s2  }
0x7: {  	s17 =	simm.s32 $0x0;
	s10 =	simm.s32 $0x0;
	s3 =	sand.u32 $0xF80, s1  }
0x8: {  	s12 =	simm.s32 $0x0;
	s5 =	sshrl.u32 s1, $0xC;
	p0 =	sne.s32 s3, $0x0  }
.Ltmp0:
0x9: {  	s1 =	rddreg [dreg:$0x2];
	s4 =	simm.s32 @!p0 $0x0;
	(pc) =	sbr.rel .LBB1_1-.Ltmp0, $4  }
0xa: {  	s13 =	simm.s32 $0x0;
	s3 =	rddreg [dreg:$0x1];
	s5 =	sadd.s32 s4, s5  }
0xb: {  	_ =	strace $0x80000047;
	s4 =	simm.s32 $0x1;
	s5 =	smul.u32 $0x5, s5  }
0xc: {  	s14 =	simm.s32 $0x0;
	s6 =	sadd.s32 $0x1400, s6;
	[sflag:s4] =	ssyncpa.u1 $0x0  }
0xd: {  	s11 =	smov.u32 s2;
	[sflag:s7] =	ssyncpa.u1 $0x0;
	s7 =	sadd.s32 $0x1, s5  }
.LBB1_7:
0xe: {  	s19 =	sadd.s32 $0x1000, s11  }
0xf: {  	s15 =	simm.s32 $0x1;
	p1 =	sgt.s32 s19, $0x7FFF  }
0x10: {  	s15 =	simm.s32 @!p1 $0x0  }
0x11: {  	s20 =	sadd.s32 s15, s10  }
0x12: {  	s21 =	smov.u32 s12;
	s15 =	sadd.s32 $0x8, s12;
	p2 =	sgt.s32 s20, $0x4  }
0x13: {  	s21 =	smov.u32 @p2 s15  }
0x14: {  	s22 =	smov.u32 s13;
	s15 =	sadd.s32 $0x10, s13;
	p3 =	sgt.s32 s21, $0x7  }
0x15: {  	p0 =	slt.u32 s14, $0x2;
	s22 =	smov.u32 @p3 s15  }
0x16: {  	s16 =	smov.u32 s10;
	s19 =	smov.u32 @p1 s2;
	p1 =	sgt.s32 s22, $0xF  }
0x17: {  	s23 =	simm.s32 @!p0 $0x2;
	s22 =	simm.s32 @p1 $0x0;
	p1 =	sne.s32 s14, s7  }
.Ltmp1:
0x18: {  	s18 =	smov.u32 s12;
	_ =	swait.ge @!p0 [sflag:s23], $0x4000;
	(pc) =	sbr.rel @!p1 .LBB1_8-.Ltmp1, $4  }
0x19: {  	s17 =	smov.u32 s13;
	[sflag:s23] =	ssyncset.done @!p0 $0x0;
	s20 =	simm.s32 @p2 $0x0  }
0x1a: {  	s9 =	sadd.s32 $0x4000, s9;
	[sflag:s23] =	ssyncadd.s32 @!p0 $0xFFFFC000;
	s10 =	smov.u32 s20  }
0x1b: {  	s21 =	simm.s32 @p3 $0x0;
	s15 =	smov.u32 s11;
	s11 =	smov.u32 s19  }
0x1c: {  	s12 =	smov.u32 s21;
	s14 =	sadd.s32 $0x1, s14;
	s13 =	smov.u32 s22  }
.LBB1_1:
0x1d: {  	p0 =	sge.u32 s14, s5  }
0x1e: {  	s31 =	sadd.s32 $0xFFFFFFFF, s14;
	s19 =	sxor.u32 @!p0 $0xFFFFFFFF, s14  }
0x1f: {  	s20 =	sshll.u32 @!p0 s10, $0x7;
	s21 =	sand.u32 @!p0 $0x78, s11;
	s22 =	sshll.u32 @!p0 s11, $0x3  }
0x20: {  	s23 =	sand.u32 @!p0 $0x7000, s11;
	s19 =	sshll.u32 @!p0 s19, $0xE;
	s20 =	sand.u32 @!p0 $0x380, s20  }
0x21: {  	s22 =	sand.u32 @!p0 $0x7C00, s22;
	s20 =	sor.u32 @!p0 s20, s21;
	s21 =	sshll.u32 @!p0 s13, $0x12  }
0x22: {  	s20 =	sor.u32 @!p0 s22, s20;
	s22 =	sshll.u32 @!p0 s12, $0xF;
	s21 =	sadd.s32 @!p0 s6, s21  }
0x23: {  	s19 =	sand.u32 @!p0 $0x4000, s19;
	s21 =	sadd.s32 @!p0 s22, s21;
	s22 =	sand.u32 @!p0 $0x7, s11  }
0x24: {  	s20 =	sshrl.u32 @!p0 s20, $0x3;
	s21 =	sadd.s32 @!p0 s23, s21;
	s22 =	sshll.u32 @!p0 s22, $0x12  }
0x25: {  	s20 =	sadd.s32 @!p0 s20, s21;
	s21 =	sor.u32 @!p0 $0x80, s22;
	s22 =	simm.s32 @!p0 $0x40000  }
0x26: {  	[tilespmem:s19], [sflag:$0x1] =	stream.strided.gather @!p0 [hbm4b:s20+s21], $0x4000, s22, s21, $0x38;
	[tilespmem:$0x10000] =	vst v63  }
0x27: {  	p0 =	sge.u32 s31, s5  }
.Ltmp2:
0x28: {  	_ = 	snop;
	(pc) =	sbr.rel @p0 .LBB1_7-.Ltmp2, $1  }
0x29: {  	_ =	sdelay $0x3  }
0x2a: {  	s19 =	sand.u32 $0x4000, s9  }
0x2b: {  	_ =	swait.ge [sflag:s4], $0x4000;
	s22 =	sshll.u32 s14, $0xE;
	s20 =	sor.u32 $0x70, s19  }
0x2c: {  	s21 =	sor.u32 $0x8040, s19;
	[sflag:s4] =	ssyncset.done $0x0;
	s31 =	sand.u32 $0x4000, s22  }
0x2d: {  	s22 =	simm.s32 $0x0;
	[sflag:s4] =	ssyncadd.s32 $0xFFFFC000;
	s19 =	sor.u32 $0x8000, s31  }
.LBB1_3:
0x2e: {  	v1 =	vmov s20;
	_ =	sdelay $0x3  }
0x2f: {  	s23 =	simm.s32 $0x0  }
0x30: {  	v7 =	vld.idx.msk [tilespmem:v1+s23+$0x0 ss:$0x1], $0xffff  }
0x31: {  	v0 =	vmov s21;
	v8 =	vld.idx.msk [tilespmem:v1+s23+$0xFFFFFF90 ss:$0x1], $0xffff  }
0x32: {  	v6 =	vld.idx.msk [tilespmem:v1+s23+$0xFFFFFFA0 ss:$0x1], $0xffff  }
0x33: {  	v5 =	vld.idx.msk [tilespmem:v1+s23+$0xFFFFFFB0 ss:$0x1], $0xffff  }
0x34: {  	v4 =	vld.idx.msk [tilespmem:v1+s23+$0xFFFFFFC0 ss:$0x1], $0xffff  }
0x35: {  	v2 =	vld.idx.msk [tilespmem:v1+s23+$0xFFFFFFD0 ss:$0x1], $0xffff  }
0x36: {  	v3 =	vld.idx.msk [tilespmem:v1+s23+$0xFFFFFFE0 ss:$0x1], $0xffff;
	[tilespmem:v0+s23+$0x30 ss:$0x1] =	vst.idx.msk $0xffff, v7  }
0x37: {  	s24 =	simm.s32 $0x80;
	s25 =	simm.s32 $0x400;
	[tilespmem:v0+s23+$0xFFFFFFC0 ss:$0x1] =	vst.idx.msk $0xffff, v8;
	v7 =	vld.idx.msk [tilespmem:v1+s23+$0xFFFFFFF0 ss:$0x1], $0xffff  }
.LBB1_4:
0x38: {  	p0 =	sne.s32 s25, $0xE00;
	v8 =	vld.idx.msk [tilespmem:v1+s24+$0x0 ss:$0x1], $0xffff;
	[tilespmem:v0+s23+$0xFFFFFFD0 ss:$0x1] =	vst.idx.msk $0xffff, v6  }
0x39: {  	v9 =	vld.idx.msk [tilespmem:v1+s24+$0xFFFFFF90 ss:$0x1], $0xffff;
	[tilespmem:v0+s23+$0xFFFFFFE0 ss:$0x1] =	vst.idx.msk $0xffff, v5  }
0x3a: {  	v6 =	vld.idx.msk [tilespmem:v1+s24+$0xFFFFFFA0 ss:$0x1], $0xffff;
	[tilespmem:v0+s23+$0xFFFFFFF0 ss:$0x1] =	vst.idx.msk $0xffff, v4  }
.Ltmp3:
0x3b: {  	v5 =	vld.idx.msk [tilespmem:v1+s24+$0xFFFFFFB0 ss:$0x1], $0xffff;
	[tilespmem:v0+s23+$0x0 ss:$0x1] =	vst.idx.msk $0xffff, v2;
	(pc) =	sbr.rel @p0 .LBB1_4-.Ltmp3, $4  }
0x3c: {  	v4 =	vld.idx.msk [tilespmem:v1+s24+$0xFFFFFFC0 ss:$0x1], $0xffff;
	[tilespmem:v0+s23+$0x10 ss:$0x1] =	vst.idx.msk $0xffff, v3  }
0x3d: {  	v2 =	vld.idx.msk [tilespmem:v1+s24+$0xFFFFFFD0 ss:$0x1], $0xffff;
	[tilespmem:v0+s23+$0x20 ss:$0x1] =	vst.idx.msk $0xffff, v7;
	s23 =	smov.u32 s24  }
0x3e: {  	v3 =	vld.idx.msk [tilespmem:v1+s23+$0xFFFFFFE0 ss:$0x1], $0xffff;
	[tilespmem:v0+s23+$0x30 ss:$0x1] =	vst.idx.msk $0xffff, v8  }
0x3f: {  	s24 =	sshra.s32 s25, $0x2;
	s25 =	sadd.s32 $0x200, s25;
	[tilespmem:v0+s23+$0xFFFFFFC0 ss:$0x1] =	vst.idx.msk $0xffff, v9;
	v7 =	vld.idx.msk [tilespmem:v1+s23+$0xFFFFFFF0 ss:$0x1], $0xffff  }
0x40: {  	_ =	sdelay $0x3  }
0x41: {  	[tilespmem:v0+s23+$0xFFFFFFD0 ss:$0x1] =	vst.idx.msk $0xffff, v6  }
0x42: {  	v56 =	vld.idx.msk [tilespmem:v1+s24+$0x0 ss:$0x1], $0xffff;
	[tilespmem:v0+s23+$0xFFFFFFE0 ss:$0x1] =	vst.idx.msk $0xffff, v5  }
0x43: {  	v57 =	vld.idx.msk [tilespmem:v1+s24+$0xFFFFFF90 ss:$0x1], $0xffff;
	[tilespmem:v0+s23+$0xFFFFFFF0 ss:$0x1] =	vst.idx.msk $0xffff, v4  }
0x44: {  	v58 =	vld.idx.msk [tilespmem:v1+s24+$0xFFFFFFA0 ss:$0x1], $0xffff;
	[tilespmem:v0+s23+$0x0 ss:$0x1] =	vst.idx.msk $0xffff, v2  }
0x45: {  	v59 =	vld.idx.msk [tilespmem:v1+s24+$0xFFFFFFB0 ss:$0x1], $0xffff;
	[tilespmem:v0+s23+$0x10 ss:$0x1] =	vst.idx.msk $0xffff, v3  }
0x46: {  	v60 =	vld.idx.msk [tilespmem:v1+s24+$0xFFFFFFC0 ss:$0x1], $0xffff;
	[tilespmem:v0+s23+$0x20 ss:$0x1] =	vst.idx.msk $0xffff, v7  }
0x47: {  	v61 =	vld.idx.msk [tilespmem:v1+s24+$0xFFFFFFD0 ss:$0x1], $0xffff;
	[tilespmem:v0+s24+$0x30 ss:$0x1] =	vst.idx.msk $0xffff, v56  }
0x48: {  	v62 =	vld.idx.msk [tilespmem:v1+s24+$0xFFFFFFE0 ss:$0x1], $0xffff;
	s22 =	sadd.s32 $0x1, s22;
	[tilespmem:v0+s24+$0xFFFFFFC0 ss:$0x1] =	vst.idx.msk $0xffff, v57  }
0x49: {  	v63 =	vld.idx.msk [tilespmem:v1+s24+$0xFFFFFFF0 ss:$0x1], $0xffff;
	p0 =	sne.s32 s22, $0x10;
	[tilespmem:v0+s24+$0xFFFFFFD0 ss:$0x1] =	vst.idx.msk $0xffff, v58  }
.Ltmp4:
0x4a: {  	[tilespmem:v0+s24+$0xFFFFFFE0 ss:$0x1] =	vst.idx.msk $0xffff, v59;
	(pc) =	sbr.rel @p0 .LBB1_3-.Ltmp4, $4  }
0x4b: {  	[tilespmem:v0+s24+$0xFFFFFFF0 ss:$0x1] =	vst.idx.msk $0xffff, v60  }
0x4c: {  	[tilespmem:v0+s24+$0x0 ss:$0x1] =	vst.idx.msk $0xffff, v61  }
0x4d: {  	[tilespmem:v0+s24+$0x10 ss:$0x1] =	vst.idx.msk $0xffff, v62  }
0x4e: {  	s20 =	sadd.s32 $0x400, s20;
	s21 =	sadd.s32 $0x400, s21;
	[tilespmem:v0+s24+$0x20 ss:$0x1] =	vst.idx.msk $0xffff, v63  }
0x4f: {  	s20 =	sand.u32 $0x78, s15;
	s18 =	sshll.u32 s18, $0x7  }
0x50: {  	s21 =	sshll.u32 s15, $0x3;
	s17 =	smul.u32 $0x28000, s17;
	s16 =	sshll.u32 s16, $0xF  }
0x51: {  	s29 =	sand.u32 $0x7000, s15;
	s18 =	sand.u32 $0x380, s18;
	s21 =	sand.u32 $0x7C00, s21  }
.Ltmp5:
0x52: {  	s18 =	sor.u32 s18, s20;
	s17 =	sadd.s32 s3, s17;
	(pc) =	sbr.rel .LBB1_7-.Ltmp5, $4  }
0x53: {  	s30 =	sand.u32 $0x7, s15;
	s18 =	sor.u32 s21, s18;
	s16 =	sadd.s32 s16, s17  }
0x54: {  	s15 =	sshll.u32 s30, $0x12;
	s31 =	sshrl.u32 s18, $0x3;
	s16 =	sadd.s32 s29, s16  }
0x55: {  	s15 =	sor.u32 $0x400, s15;
	s16 =	sadd.s32 s31, s16  }
0x56: {  	[hbm4b:s16+s15] =	stream.strided.scatter [tilespmem:s19], [sflag:$0x2], $0x4000, s8, s15, $0x38;
	[tilespmem:$0x10000] =	vst v63  }
.LBB1_8:
0x57: {  	_ =	sfence.sel $0x180000  }
0x58: {  	s2 =	simm.s32 $0x1;
	[bflag:$0x0] =	sbarrier.arrive $0xFFFF  }
0x59: {  	s31 =	simm.s32 $0x2;
	[sflag:s2] =	ssyncpa.u1 $0x1  }
0x5a: {  	[sflag:s31] =	ssyncpa.u1 $0x1  }
0x5b: {  	p0 =	sne.s32 s0, $0x0;
	_ =	strace $0x90000047  }
0x5c: {  	s0 =	sadd.s32 @!p0 $0x100000, s1;
	[bflag:$0x2] =	sbarrier.arrive $0xFFFF  }
0x5d: {  	[sflag:s0] =	ssyncadd.tile.s32 @!p0 $0x1;
	_ =	shalt  }
.Lfunc_end1:
_tile_overlayer_lowered:
.L_overlay_start_2:
0x5e: {  	(tag) =	ssettag $0x2  }
0x5f: {  	s0 =	rddreg [dreg:$0x0];
	s2 =	stileid.u32  }
0x60: {  	s1 =	rddreg [dreg:$0x1];
	p0 =	sne.s32 s2, $0x0  }
0x61: {  	s3 =	rddreg [dreg:$0x2];
	[bflag:$0x3] =	sbarrier.arrive $0xFFFF;
	s2 =	simm.s32 @!p0 $0x1C01  }
0x62: {  	[timem:s3], [sflag:s2] =	dma.local @!p0 [hbm:s0], s1  }
0x63: {  	s0 =	simm.s32 @!p0 $0x1  }
0x64: {  	_ =	swait.ge @!p0 [sflag:s0], s1  }
0x65: {  	s1 =	ssub.s32 @!p0 $0x0, s1;
	[sflag:s0] =	ssyncset.done @!p0 $0x0  }
0x66: {  	[sflag:s0] =	ssyncadd.s32 @!p0 s1  }
0x67: {  	[bflag:$0x3] =	sbarrier.arrive $0xFFFF  }
0x68: {  	_ =	shalt  }

</sc_bundles>
